<compile_context>
chip_gen: v7x
topology: tpu7x:2x2x1
jax: 0.10.2.dev20260603
libtpu: 0.0.44.dev20260713+nightly
codegen_flags: <defaults>
</compile_context>

<pallas_src>
import functools

import jax
import jax.numpy as jnp
from jax import lax
from jax.experimental import pallas as pl
from jax.experimental.pallas import tpu as pltpu
from jax.experimental.pallas import tpu_sc as plsc

CDIM = 16
EDIM = 64


@jax.jit
def _sc_linearize(tT):
    cd, nrows = tT.shape
    info = plsc.get_sparse_core_info()
    nw = info.num_cores * info.num_subcores
    ch = 512
    per_w = (nrows // nw) // ch * ch
    nch = per_w // ch
    mesh = plsc.VectorSubcoreMesh(core_axis_name="c", subcore_axis_name="s")

    @functools.partial(
        pl.kernel,
        mesh=mesh,
        out_type=jax.ShapeDtypeStruct((nrows * cd,), jnp.float32),
        scratch_types=[
            pltpu.VMEM((cd, ch), jnp.float32),
            pltpu.VMEM((cd, ch), jnp.float32),
            pltpu.VMEM((ch * cd,), jnp.float32),
            pltpu.VMEM((ch * cd,), jnp.float32),
            pltpu.SemaphoreType.DMA,
            pltpu.SemaphoreType.DMA,
            pltpu.SemaphoreType.DMA,
            pltpu.SemaphoreType.DMA,
        ],
        compiler_params=pltpu.CompilerParams(
            use_tc_tiling_on_sc=True, needs_layout_passes=False
        ),
    )
    def lin(t_hbm, out_hbm, ibuf0, ibuf1, obuf0, obuf1, g0, g1, s0, s1):
        wid = lax.axis_index("s") * info.num_cores + lax.axis_index("c")
        base = wid * per_w
        ib = (ibuf0, ibuf1)
        ob = (obuf0, obuf1)
        gsem = (g0, g1)
        ssem = (s0, s1)
        lanes = lax.iota(jnp.int32, 16)

        def in_cp(j, p):
            return pltpu.make_async_copy(
                t_hbm.at[:, pl.ds(pl.multiple_of(base + j * ch, 128), ch)],
                ib[p], gsem[p],
            )

        def out_cp(j, p):
            return pltpu.make_async_copy(
                ob[p],
                out_hbm.at[pl.ds(pl.multiple_of((base + j * ch) * cd, 8),
                                 ch * cd)],
                ssem[p],
            )

        def repack(p, ngrp):
            src, dst = ib[p], ob[p]

            def body(g, carry):
                rl0 = g * 16
                for c in range(cd):
                    v = src[c, pl.ds(rl0, 16)]
                    idx = lanes * cd + (rl0 * cd + c)
                    plsc.store_scatter(dst, [idx], v)
                return carry

            lax.fori_loop(0, ngrp, body, 0)

        in_cp(0, 0).start()
        in_cp(1, 1).start()

        def chunk_pair(t, carry):
            for p in range(2):
                j = 2 * t + p

                @pl.when(j < nch)
                def _():
                    in_cp(j, p).wait()

                    @pl.when(t >= 1)
                    def _():
                        out_cp(j - 2, p).wait()

                    repack(p, ch // 16)
                    out_cp(j, p).start()

                    @pl.when(j + 2 < nch)
                    def _():
                        in_cp(j + 2, p).start()

            return carry

        lax.fori_loop(0, (nch + 1) // 2, chunk_pair, 0)
        out_cp(nch - 2, (nch - 2) % 2).wait()
        out_cp(nch - 1, (nch - 1) % 2).wait()

        @pl.when(wid == nw - 1)
        def _():
            tb = nw * per_w
            pltpu.sync_copy(t_hbm.at[:, pl.ds(tb, ch)], ib[0])
            repack(0, ch // 16)
            pltpu.sync_copy(ob[0], out_hbm.at[pl.ds(tb * cd, ch * cd)])

    return lin(tT)


@jax.jit
def _sc_gather(xT, table):
    nf, nb = xT.shape
    info = plsc.get_sparse_core_info()
    nw = info.num_cores * info.num_subcores
    fg = 2
    bg = nw // fg
    f_per = nf // fg
    b_per = nb // bg
    mesh = plsc.VectorSubcoreMesh(core_axis_name="c", subcore_axis_name="s")

    @functools.partial(
        pl.kernel,
        mesh=mesh,
        out_type=jax.ShapeDtypeStruct((nb // 128, nf * CDIM, 128), jnp.float32),
        scratch_types=[
            pltpu.VMEM((f_per, b_per), jnp.int32),
            pltpu.VMEM((2, b_per, CDIM), jnp.float32),
            pltpu.VMEM((2, b_per // 128, CDIM, 128), jnp.float32),
            pltpu.SemaphoreType.DMA,
            pltpu.SemaphoreType.DMA,
            pltpu.SemaphoreType.DMA,
            pltpu.SemaphoreType.DMA,
        ],
        compiler_params=pltpu.CompilerParams(
            use_tc_tiling_on_sc=False, needs_layout_passes=False
        ),
    )
    def gather(xT_hbm, table_hbm, out_hbm, idx_v, rows_v, xpose_v,
               g0, g1, s0, s1):
        wid = lax.axis_index("s") * info.num_cores + lax.axis_index("c")
        f0 = (wid % fg) * f_per
        b0 = (wid // fg) * b_per
        gsem = (g0, g1)
        ssem = (s0, s1)
        pltpu.sync_copy(
            xT_hbm.at[pl.ds(f0, f_per), pl.ds(b0, b_per)], idx_v
        )
        g = [None] * f_per
        s = [None] * f_per

        def fire_gather(j):
            g[j] = pltpu.async_copy(
                table_hbm.at[idx_v.at[j]], rows_v.at[j % 2], gsem[j % 2]
            )

        def transpose_chunk(j):
            rows_ref = rows_v.at[j % 2]
            xp_ref = xpose_v.at[j % 2]

            def body(grp, carry):
                base = grp * CDIM
                ridx = lax.iota(jnp.int32, 16) + base
                q = grp // (128 // CDIM)
                lane0 = (grp % (128 // CDIM)) * CDIM
                for c in range(CDIM):
                    cidx = jnp.full((16,), c, jnp.int32)
                    xp_ref[q, c, pl.ds(lane0, CDIM)] = plsc.load_gather(
                        rows_ref, [ridx, cidx]
                    )
                return carry

            lax.fori_loop(0, b_per // CDIM, body, 0)

        def fire_scatter(j):
            s[j] = pltpu.async_copy(
                xpose_v.at[j % 2],
                out_hbm.at[
                    pl.ds(b0 // 128, b_per // 128),
                    pl.ds((f0 + j) * CDIM, CDIM),
                    :,
                ],
                ssem[j % 2],
            )

        fire_gather(0)
        for j in range(f_per):
            g[j].wait()
            if j + 1 < f_per:
                fire_gather(j + 1)
            if j >= 2:
                s[j - 2].wait()
            transpose_chunk(j)
            fire_scatter(j)
        s[f_per - 1].wait()
        s[f_per - 2].wait()

    return gather(xT, table)


def _mm_body(x_ref, w_ref, b_ref, out_ref):
    nf = out_ref.shape[0]
    mm = lax.dot_general(
        w_ref[...], x_ref[0], (((1,), (0,)), ((), ())),
        preferred_element_type=jnp.float32,
    )
    out_ref[...] = mm.reshape(nf, EDIM, 128) + b_ref[...]


def _tc_project(x_cmaj, w_big, b3):
    nq, nrow, _ = x_cmaj.shape
    nf = nrow // CDIM
    nbatch = nq * 128
    return pl.pallas_call(
        _mm_body,
        grid=(nq,),
        in_specs=[
            pl.BlockSpec((1, nrow, 128), lambda q: (q, 0, 0)),
            pl.BlockSpec((nf * EDIM, nrow), lambda q: (0, 0)),
            pl.BlockSpec((1, EDIM, 1), lambda q: (0, 0, 0)),
        ],
        out_specs=pl.BlockSpec((nf, EDIM, 128), lambda q: (0, 0, q)),
        out_shape=jax.ShapeDtypeStruct((nf, EDIM, nbatch), jnp.float32),
    )(x_cmaj, w_big, b3)


def kernel(x, table, W, b):
    batch, feat = x.shape
    xT = x.T
    t_flat = _sc_linearize(table.T)
    nrows = table.shape[0]
    tb2 = (nrows // 128) * 128
    t_flat = lax.dynamic_update_slice(
        t_flat, table[tb2:].reshape(-1), (tb2 * CDIM,)
    )
    t_lin = t_flat.reshape(table.shape)
    x_cmaj = _sc_gather(xT, t_lin)
    w_big = jnp.kron(jnp.eye(feat, dtype=jnp.float32), W)
    outp = _tc_project(x_cmaj, w_big, b.reshape(1, EDIM, 1))
    return jnp.transpose(outp, (2, 0, 1))

# --- scband reference (transcript-rebuilt; emitter-appended) ---
"""Pipeline reference for scband-embedding-mlp-2542620639342 (READ-ONLY COPY).

The authoritative reference and input builder live on the scoring server;
editing this copy changes nothing except your own understanding.
"""

import jax, jax.numpy as jnp
import numpy as np

VOCAB = 1000000
COMPRESS_DIM = 16
EMB_DIM = 64
B = 16384
F = 26


def setup_inputs(seed: int = 0) -> dict:
    key = jax.random.key(seed)
    k_idx, k_tab, k_w, k_b = jax.random.split(key, 4)
    x = jax.random.randint(k_idx, (B, F), 0, VOCAB, dtype=jnp.int64 if jax.config.read('jax_enable_x64') else jnp.int32)
    table = jax.random.normal(k_tab, (VOCAB, COMPRESS_DIM), dtype=jnp.float32)
    # nn.Linear default init: U(-1/sqrt(fan_in), 1/sqrt(fan_in))
    bound = 1.0 / np.sqrt(COMPRESS_DIM)
    W = jax.random.uniform(k_w, (EMB_DIM, COMPRESS_DIM), minval=-bound, maxval=bound, dtype=jnp.float32)
    b = jax.random.uniform(k_b, (EMB_DIM,), minval=-bound, maxval=bound, dtype=jnp.float32)
    return {"x": x, "table": table, "W": W, "b": b}


def reference(x, table, W, b):
    # embedding lookup (gather)
    emb = jnp.take(table, x, axis=0)          # [B, F, compress_dim]
    # activation = Identity
    # linear: emb @ W.T + b
    out = jnp.einsum('bfc,ec->bfe', emb, W) + b  # [B, F, emb_dim]
    return out

if __name__ == "__main__":
    import jax
    _d = setup_inputs()
    print(jax.jit(kernel)(*tuple(_d.values())))

</pallas_src>

<mosaic_0001>
#map = affine_map<(d0, d1) -> (0, 0)>
#map1 = affine_map<(d0, d1) -> (0)>
module attributes {stable_mosaic.version = 14 : i64} {
  func.func @lin(%arg0: i32, %arg1: i32, %arg2: memref<16x1000000xf32, #tpu.memory_space<hbm>>, %arg3: memref<16000000xf32, #tpu.memory_space<hbm>>, %arg4: memref<16x512xf32, #tpu.memory_space<vmem>>, %arg5: memref<16x512xf32, #tpu.memory_space<vmem>>, %arg6: memref<8192xf32, #tpu.memory_space<vmem>>, %arg7: memref<8192xf32, #tpu.memory_space<vmem>>, %arg8: memref<!tpu.dma_semaphore, #tpu.memory_space<semaphore_mem>>, %arg9: memref<!tpu.dma_semaphore, #tpu.memory_space<semaphore_mem>>, %arg10: memref<!tpu.dma_semaphore, #tpu.memory_space<semaphore_mem>>, %arg11: memref<!tpu.dma_semaphore, #tpu.memory_space<semaphore_mem>>) attributes {dimension_semantics = [#tpu.dimension_semantics<core_parallel>, #tpu.dimension_semantics<subcore_parallel>], iteration_bounds = array<i64: 2, 16>, scalar_prefetch = 0 : i64, scratch_operands = 8 : i64, tpu.core_type = #tpu.core_type<sc_vector_subcore>, window_params = [{transform_indices = #map}, {transform_indices = #map1}]} {
    %mul3A = arith.constant 2 : i32
    %mul3A_0 = arith.muli %arg1, %mul3A : i32
    %add3A = arith.addi %mul3A_0, %arg0 : i32
    %mul3A_1 = arith.constant 31232 : i32
    %mul3A_2 = arith.muli %add3A, %mul3A_1 : i32
    %iota3A = tpu.iota {dimensions = array<i32: 0>} : vector<16xi32>
    %add3A_3 = arith.constant 0 : i32
    %add3A_4 = arith.addi %mul3A_2, %add3A_3 : i32
    %multiple_of3A = tpu.assume_multiple %add3A_4, 128 : i32
    %dma_start3A = arith.constant 0 : i32
    %dma_start3A_5 = tpu.memref_slice %arg2[%dma_start3A, %multiple_of3A] : memref<16x1000000xf32, #tpu.memory_space<hbm>> -> memref<16x512xf32, #tpu.memory_space<hbm>>
    %dma_start3A_6 = arith.constant 0 : i32
    %dma_start3A_7 = tpu.memref_slice %arg2[%dma_start3A_6, %multiple_of3A] : memref<16x1000000xf32, #tpu.memory_space<hbm>> -> memref<16x512xf32, #tpu.memory_space<hbm>>
    tpu.enqueue_dma source(%dma_start3A_7 : memref<16x512xf32, #tpu.memory_space<hbm>>) target(%arg4 : memref<16x512xf32, #tpu.memory_space<vmem>>) target_semaphore(%arg8 : memref<!tpu.dma_semaphore, #tpu.memory_space<semaphore_mem>>)
    %add3A_8 = arith.constant 512 : i32
    %add3A_9 = arith.addi %mul3A_2, %add3A_8 : i32
    %multiple_of3A_10 = tpu.assume_multiple %add3A_9, 128 : i32
    %dma_start3A_11 = arith.constant 0 : i32
    %dma_start3A_12 = tpu.memref_slice %arg2[%dma_start3A_11, %multiple_of3A_10] : memref<16x1000000xf32, #tpu.memory_space<hbm>> -> memref<16x512xf32, #tpu.memory_space<hbm>>
    %dma_start3A_13 = arith.constant 0 : i32
    %dma_start3A_14 = tpu.memref_slice %arg2[%dma_start3A_13, %multiple_of3A_10] : memref<16x1000000xf32, #tpu.memory_space<hbm>> -> memref<16x512xf32, #tpu.memory_space<hbm>>
    tpu.enqueue_dma source(%dma_start3A_14 : memref<16x512xf32, #tpu.memory_space<hbm>>) target(%arg5 : memref<16x512xf32, #tpu.memory_space<vmem>>) target_semaphore(%arg9 : memref<!tpu.dma_semaphore, #tpu.memory_space<semaphore_mem>>)
    %scan3A = arith.constant 0 : i32
    %scan3A_15 = arith.constant 0 : i32
    %scan3A_16 = arith.constant 31 : i32
    %scan3A_17 = arith.addi %scan3A_15, %scan3A_16 : i32
    %scan3A_18 = arith.constant 1 : i32
    scf.for %scan3A_35 = %scan3A_15 to %scan3A_17 step %scan3A_18  : i32 {
      %mul3A_36 = arith.constant 2 : i32
      %mul3A_37 = arith.muli %mul3A_36, %scan3A_35 : i32
      %add3A_38 = arith.constant 0 : i32
      %add3A_39 = arith.addi %mul3A_37, %add3A_38 : i32
      %lt3A = arith.constant 61 : i32
      %lt3A_40 = arith.cmpi slt, %add3A_39, %lt3A : i32
      %convert_element_type3A_41 = arith.extui %lt3A_40 : i1 to i32
      %cond3A_42 = arith.constant 0 : i32
      %cond3A_43 = arith.cmpi ne, %convert_element_type3A_41, %cond3A_42 : i32
      scf.if %cond3A_43 {
        %mul3A_53 = arith.constant 512 : i32
        %mul3A_54 = arith.muli %add3A_39, %mul3A_53 : i32
        %add3A_55 = arith.addi %mul3A_2, %mul3A_54 : i32
        %multiple_of3A_56 = tpu.assume_multiple %add3A_55, 128 : i32
        %dma_wait3A_57 = arith.constant 0 : i32
        %dma_wait3A_58 = tpu.memref_slice %arg2[%dma_wait3A_57, %multiple_of3A_56] : memref<16x1000000xf32, #tpu.memory_space<hbm>> -> memref<16x512xf32, #tpu.memory_space<hbm>>
        %dma_wait3A_59 = arith.constant 0 : i32
        %dma_wait3A_60 = tpu.memref_slice %arg2[%dma_wait3A_59, %multiple_of3A_56] : memref<16x1000000xf32, #tpu.memory_space<hbm>> -> memref<16x512xf32, #tpu.memory_space<hbm>>
        tpu.wait_dma2 semaphore(%arg8 : memref<!tpu.dma_semaphore, #tpu.memory_space<semaphore_mem>>) src(%dma_wait3A_60 : memref<16x512xf32, #tpu.memory_space<hbm>>) dst(%arg4 : memref<16x512xf32, #tpu.memory_space<vmem>>)
        %ge3A = arith.constant 1 : i32
        %ge3A_61 = arith.cmpi sge, %scan3A_35, %ge3A : i32
        %convert_element_type3A_62 = arith.extui %ge3A_61 : i1 to i32
        %cond3A_63 = arith.constant 0 : i32
        %cond3A_64 = arith.cmpi ne, %convert_element_type3A_62, %cond3A_63 : i32
        scf.if %cond3A_64 {
          %sub3A = arith.constant 2 : i32
          %sub3A_86 = arith.subi %add3A_39, %sub3A : i32
          %mul3A_87 = arith.constant 512 : i32
          %mul3A_88 = arith.muli %sub3A_86, %mul3A_87 : i32
          %add3A_89 = arith.addi %mul3A_2, %mul3A_88 : i32
          %mul3A_90 = arith.constant 16 : i32
          %mul3A_91 = arith.muli %add3A_89, %mul3A_90 : i32
          %multiple_of3A_92 = tpu.assume_multiple %mul3A_91, 8 : i32
          %dma_wait3A_93 = tpu.memref_slice %arg3[%multiple_of3A_92] : memref<16000000xf32, #tpu.memory_space<hbm>> -> memref<8192xf32, #tpu.memory_space<hbm>>
          %dma_wait3A_94 = tpu.memref_slice %arg3[%multiple_of3A_92] : memref<16000000xf32, #tpu.memory_space<hbm>> -> memref<8192xf32, #tpu.memory_space<hbm>>
          tpu.wait_dma2 semaphore(%arg10 : memref<!tpu.dma_semaphore, #tpu.memory_space<semaphore_mem>>) src(%arg6 : memref<8192xf32, #tpu.memory_space<vmem>>) dst(%dma_wait3A_94 : memref<8192xf32, #tpu.memory_space<hbm>>)
        } else {
        }
        %scan3A_65 = arith.constant 0 : i32
        %scan3A_66 = arith.constant 0 : i32
        %scan3A_67 = arith.constant 32 : i32
        %scan3A_68 = arith.addi %scan3A_66, %scan3A_67 : i32
        %scan3A_69 = arith.constant 1 : i32
        scf.for %scan3A_86 = %scan3A_66 to %scan3A_68 step %scan3A_69  : i32 {
          %mul3A_87 = arith.constant 16 : i32
          %mul3A_88 = arith.muli %scan3A_86, %mul3A_87 : i32
          %get3A = arith.constant 0 : i32
          %get3A_89 = arith.index_cast %get3A : i32 to index
          %get3A_90 = arith.index_cast %mul3A_88 : i32 to index
          %get3A_91 = tpu.vector_load %arg4[%get3A_89, %get3A_90] {strides = array<i32>} : memref<16x512xf32, #tpu.memory_space<vmem>>, vector<16xf32>,
          %mul3A_92 = arith.constant 16 : i32
          %mul3A_93 = vector.broadcast %mul3A_92 : i32 to vector<16xi32>
          %mul3A_94 = arith.muli %iota3A, %mul3A_93 : vector<16xi32>
          %mul3A_95 = arith.constant 16 : i32
          %mul3A_96 = arith.muli %mul3A_88, %mul3A_95 : i32
          %add3A_97 = arith.constant 0 : i32
          %add3A_98 = arith.addi %mul3A_96, %add3A_97 : i32
          %add3A_99 = vector.broadcast %add3A_98 : i32 to vector<16xi32>
          %add3A_100 = arith.addi %mul3A_94, %add3A_99 : vector<16xi32>
          tpu.vector_store_idx %arg6[%add3A_100], %get3A_91 : memref<8192xf32, #tpu.memory_space<vmem>>[vector<16xi32>], vector<16xf32>,
          %get3A_101 = arith.constant 1 : i32
          %get3A_102 = arith.index_cast %get3A_101 : i32 to index
          %get3A_103 = arith.index_cast %mul3A_88 : i32 to index
          %get3A_104 = tpu.vector_load %arg4[%get3A_102, %get3A_103] {strides = array<i32>} : memref<16x512xf32, #tpu.memory_space<vmem>>, vector<16xf32>,
          %mul3A_105 = arith.constant 16 : i32
          %mul3A_106 = vector.broadcast %mul3A_105 : i32 to vector<16xi32>
          %mul3A_107 = arith.muli %iota3A, %mul3A_106 : vector<16xi32>
          %mul3A_108 = arith.constant 16 : i32
          %mul3A_109 = arith.muli %mul3A_88, %mul3A_108 : i32
          %add3A_110 = arith.constant 1 : i32
          %add3A_111 = arith.addi %mul3A_109, %add3A_110 : i32
          %add3A_112 = vector.broadcast %add3A_111 : i32 to vector<16xi32>
          %add3A_113 = arith.addi %mul3A_107, %add3A_112 : vector<16xi32>
          tpu.vector_store_idx %arg6[%add3A_113], %get3A_104 : memref<8192xf32, #tpu.memory_space<vmem>>[vector<16xi32>], vector<16xf32>,
          %get3A_114 = arith.constant 2 : i32
          %get3A_115 = arith.index_cast %get3A_114 : i32 to index
          %get3A_116 = arith.index_cast %mul3A_88 : i32 to index
          %get3A_117 = tpu.vector_load %arg4[%get3A_115, %get3A_116] {strides = array<i32>} : memref<16x512xf32, #tpu.memory_space<vmem>>, vector<16xf32>,
          %mul3A_118 = arith.constant 16 : i32
          %mul3A_119 = vector.broadcast %mul3A_118 : i32 to vector<16xi32>
          %mul3A_120 = arith.muli %iota3A, %mul3A_119 : vector<16xi32>
          %mul3A_121 = arith.constant 16 : i32
          %mul3A_122 = arith.muli %mul3A_88, %mul3A_121 : i32
          %add3A_123 = arith.constant 2 : i32
          %add3A_124 = arith.addi %mul3A_122, %add3A_123 : i32
          %add3A_125 = vector.broadcast %add3A_124 : i32 to vector<16xi32>
          %add3A_126 = arith.addi %mul3A_120, %add3A_125 : vector<16xi32>
          tpu.vector_store_idx %arg6[%add3A_126], %get3A_117 : memref<8192xf32, #tpu.memory_space<vmem>>[vector<16xi32>], vector<16xf32>,
          %get3A_127 = arith.constant 3 : i32
          %get3A_128 = arith.index_cast %get3A_127 : i32 to index
          %get3A_129 = arith.index_cast %mul3A_88 : i32 to index
          %get3A_130 = tpu.vector_load %arg4[%get3A_128, %get3A_129] {strides = array<i32>} : memref<16x512xf32, #tpu.memory_space<vmem>>, vector<16xf32>,
          %mul3A_131 = arith.constant 16 : i32
          %mul3A_132 = vector.broadcast %mul3A_131 : i32 to vector<16xi32>
          %mul3A_133 = arith.muli %iota3A, %mul3A_132 : vector<16xi32>
          %mul3A_134 = arith.constant 16 : i32
          %mul3A_135 = arith.muli %mul3A_88, %mul3A_134 : i32
          %add3A_136 = arith.constant 3 : i32
          %add3A_137 = arith.addi %mul3A_135, %add3A_136 : i32
          %add3A_138 = vector.broadcast %add3A_137 : i32 to vector<16xi32>
          %add3A_139 = arith.addi %mul3A_133, %add3A_138 : vector<16xi32>
          tpu.vector_store_idx %arg6[%add3A_139], %get3A_130 : memref<8192xf32, #tpu.memory_space<vmem>>[vector<16xi32>], vector<16xf32>,
          %get3A_140 = arith.constant 4 : i32
          %get3A_141 = arith.index_cast %get3A_140 : i32 to index
          %get3A_142 = arith.index_cast %mul3A_88 : i32 to index
          %get3A_143 = tpu.vector_load %arg4[%get3A_141, %get3A_142] {strides = array<i32>} : memref<16x512xf32, #tpu.memory_space<vmem>>, vector<16xf32>,
          %mul3A_144 = arith.constant 16 : i32
          %mul3A_145 = vector.broadcast %mul3A_144 : i32 to vector<16xi32>
          %mul3A_146 = arith.muli %iota3A, %mul3A_145 : vector<16xi32>
          %mul3A_147 = arith.constant 16 : i32
          %mul3A_148 = arith.muli %mul3A_88, %mul3A_147 : i32
          %add3A_149 = arith.constant 4 : i32
          %add3A_150 = arith.addi %mul3A_148, %add3A_149 : i32
          %add3A_151 = vector.broadcast %add3A_150 : i32 to vector<16xi32>
          %add3A_152 = arith.addi %mul3A_146, %add3A_151 : vector<16xi32>
          tpu.vector_store_idx %arg6[%add3A_152], %get3A_143 : memref<8192xf32, #tpu.memory_space<vmem>>[vector<16xi32>], vector<16xf32>,
          %get3A_153 = arith.constant 5 : i32
          %get3A_154 = arith.index_cast %get3A_153 : i32 to index
          %get3A_155 = arith.index_cast %mul3A_88 : i32 to index
          %get3A_156 = tpu.vector_load %arg4[%get3A_154, %get3A_155] {strides = array<i32>} : memref<16x512xf32, #tpu.memory_space<vmem>>, vector<16xf32>,
          %mul3A_157 = arith.constant 16 : i32
          %mul3A_158 = vector.broadcast %mul3A_157 : i32 to vector<16xi32>
          %mul3A_159 = arith.muli %iota3A, %mul3A_158 : vector<16xi32>
          %mul3A_160 = arith.constant 16 : i32
          %mul3A_161 = arith.muli %mul3A_88, %mul3A_160 : i32
          %add3A_162 = arith.constant 5 : i32
          %add3A_163 = arith.addi %mul3A_161, %add3A_162 : i32
          %add3A_164 = vector.broadcast %add3A_163 : i32 to vector<16xi32>
          %add3A_165 = arith.addi %mul3A_159, %add3A_164 : vector<16xi32>
          tpu.vector_store_idx %arg6[%add3A_165], %get3A_156 : memref<8192xf32, #tpu.memory_space<vmem>>[vector<16xi32>], vector<16xf32>,
          %get3A_166 = arith.constant 6 : i32
          %get3A_167 = arith.index_cast %get3A_166 : i32 to index
          %get3A_168 = arith.index_cast %mul3A_88 : i32 to index
          %get3A_169 = tpu.vector_load %arg4[%get3A_167, %get3A_168] {strides = array<i32>} : memref<16x512xf32, #tpu.memory_space<vmem>>, vector<16xf32>,
          %mul3A_170 = arith.constant 16 : i32
          %mul3A_171 = vector.broadcast %mul3A_170 : i32 to vector<16xi32>
          %mul3A_172 = arith.muli %iota3A, %mul3A_171 : vector<16xi32>
          %mul3A_173 = arith.constant 16 : i32
          %mul3A_174 = arith.muli %mul3A_88, %mul3A_173 : i32
          %add3A_175 = arith.constant 6 : i32
          %add3A_176 = arith.addi %mul3A_174, %add3A_175 : i32
          %add3A_177 = vector.broadcast %add3A_176 : i32 to vector<16xi32>
          %add3A_178 = arith.addi %mul3A_172, %add3A_177 : vector<16xi32>
          tpu.vector_store_idx %arg6[%add3A_178], %get3A_169 : memref<8192xf32, #tpu.memory_space<vmem>>[vector<16xi32>], vector<16xf32>,
          %get3A_179 = arith.constant 7 : i32
          %get3A_180 = arith.index_cast %get3A_179 : i32 to index
          %get3A_181 = arith.index_cast %mul3A_88 : i32 to index
          %get3A_182 = tpu.vector_load %arg4[%get3A_180, %get3A_181] {strides = array<i32>} : memref<16x512xf32, #tpu.memory_space<vmem>>, vector<16xf32>,
          %mul3A_183 = arith.constant 16 : i32
          %mul3A_184 = vector.broadcast %mul3A_183 : i32 to vector<16xi32>
          %mul3A_185 = arith.muli %iota3A, %mul3A_184 : vector<16xi32>
          %mul3A_186 = arith.constant 16 : i32
          %mul3A_187 = arith.muli %mul3A_88, %mul3A_186 : i32
          %add3A_188 = arith.constant 7 : i32
          %add3A_189 = arith.addi %mul3A_187, %add3A_188 : i32
          %add3A_190 = vector.broadcast %add3A_189 : i32 to vector<16xi32>
          %add3A_191 = arith.addi %mul3A_185, %add3A_190 : vector<16xi32>
          tpu.vector_store_idx %arg6[%add3A_191], %get3A_182 : memref<8192xf32, #tpu.memory_space<vmem>>[vector<16xi32>], vector<16xf32>,
          %get3A_192 = arith.constant 8 : i32
          %get3A_193 = arith.index_cast %get3A_192 : i32 to index
          %get3A_194 = arith.index_cast %mul3A_88 : i32 to index
          %get3A_195 = tpu.vector_load %arg4[%get3A_193, %get3A_194] {strides = array<i32>} : memref<16x512xf32, #tpu.memory_space<vmem>>, vector<16xf32>,
          %mul3A_196 = arith.constant 16 : i32
          %mul3A_197 = vector.broadcast %mul3A_196 : i32 to vector<16xi32>
          %mul3A_198 = arith.muli %iota3A, %mul3A_197 : vector<16xi32>
          %mul3A_199 = arith.constant 16 : i32
          %mul3A_200 = arith.muli %mul3A_88, %mul3A_199 : i32
          %add3A_201 = arith.constant 8 : i32
          %add3A_202 = arith.addi %mul3A_200, %add3A_201 : i32
          %add3A_203 = vector.broadcast %add3A_202 : i32 to vector<16xi32>
          %add3A_204 = arith.addi %mul3A_198, %add3A_203 : vector<16xi32>
          tpu.vector_store_idx %arg6[%add3A_204], %get3A_195 : memref<8192xf32, #tpu.memory_space<vmem>>[vector<16xi32>], vector<16xf32>,
          %get3A_205 = arith.constant 9 : i32
          %get3A_206 = arith.index_cast %get3A_205 : i32 to index
          %get3A_207 = arith.index_cast %mul3A_88 : i32 to index
          %get3A_208 = tpu.vector_load %arg4[%get3A_206, %get3A_207] {strides = array<i32>} : memref<16x512xf32, #tpu.memory_space<vmem>>, vector<16xf32>,
          %mul3A_209 = arith.constant 16 : i32
          %mul3A_210 = vector.broadcast %mul3A_209 : i32 to vector<16xi32>
          %mul3A_211 = arith.muli %iota3A, %mul3A_210 : vector<16xi32>
          %mul3A_212 = arith.constant 16 : i32
          %mul3A_213 = arith.muli %mul3A_88, %mul3A_212 : i32
          %add3A_214 = arith.constant 9 : i32
          %add3A_215 = arith.addi %mul3A_213, %add3A_214 : i32
          %add3A_216 = vector.broadcast %add3A_215 : i32 to vector<16xi32>
          %add3A_217 = arith.addi %mul3A_211, %add3A_216 : vector<16xi32>
          tpu.vector_store_idx %arg6[%add3A_217], %get3A_208 : memref<8192xf32, #tpu.memory_space<vmem>>[vector<16xi32>], vector<16xf32>,
          %get3A_218 = arith.constant 10 : i32
          %get3A_219 = arith.index_cast %get3A_218 : i32 to index
          %get3A_220 = arith.index_cast %mul3A_88 : i32 to index
          %get3A_221 = tpu.vector_load %arg4[%get3A_219, %get3A_220] {strides = array<i32>} : memref<16x512xf32, #tpu.memory_space<vmem>>, vector<16xf32>,
          %mul3A_222 = arith.constant 16 : i32
          %mul3A_223 = vector.broadcast %mul3A_222 : i32 to vector<16xi32>
          %mul3A_224 = arith.muli %iota3A, %mul3A_223 : vector<16xi32>
          %mul3A_225 = arith.constant 16 : i32
          %mul3A_226 = arith.muli %mul3A_88, %mul3A_225 : i32
          %add3A_227 = arith.constant 10 : i32
          %add3A_228 = arith.addi %mul3A_226, %add3A_227 : i32
          %add3A_229 = vector.broadcast %add3A_228 : i32 to vector<16xi32>
          %add3A_230 = arith.addi %mul3A_224, %add3A_229 : vector<16xi32>
          tpu.vector_store_idx %arg6[%add3A_230], %get3A_221 : memref<8192xf32, #tpu.memory_space<vmem>>[vector<16xi32>], vector<16xf32>,
          %get3A_231 = arith.constant 11 : i32
          %get3A_232 = arith.index_cast %get3A_231 : i32 to index
          %get3A_233 = arith.index_cast %mul3A_88 : i32 to index
          %get3A_234 = tpu.vector_load %arg4[%get3A_232, %get3A_233] {strides = array<i32>} : memref<16x512xf32, #tpu.memory_space<vmem>>, vector<16xf32>,
          %mul3A_235 = arith.constant 16 : i32
          %mul3A_236 = vector.broadcast %mul3A_235 : i32 to vector<16xi32>
          %mul3A_237 = arith.muli %iota3A, %mul3A_236 : vector<16xi32>
          %mul3A_238 = arith.constant 16 : i32
          %mul3A_239 = arith.muli %mul3A_88, %mul3A_238 : i32
          %add3A_240 = arith.constant 11 : i32
          %add3A_241 = arith.addi %mul3A_239, %add3A_240 : i32
          %add3A_242 = vector.broadcast %add3A_241 : i32 to vector<16xi32>
          %add3A_243 = arith.addi %mul3A_237, %add3A_242 : vector<16xi32>
          tpu.vector_store_idx %arg6[%add3A_243], %get3A_234 : memref<8192xf32, #tpu.memory_space<vmem>>[vector<16xi32>], vector<16xf32>,
          %get3A_244 = arith.constant 12 : i32
          %get3A_245 = arith.index_cast %get3A_244 : i32 to index
          %get3A_246 = arith.index_cast %mul3A_88 : i32 to index
          %get3A_247 = tpu.vector_load %arg4[%get3A_245, %get3A_246] {strides = array<i32>} : memref<16x512xf32, #tpu.memory_space<vmem>>, vector<16xf32>,
          %mul3A_248 = arith.constant 16 : i32
          %mul3A_249 = vector.broadcast %mul3A_248 : i32 to vector<16xi32>
          %mul3A_250 = arith.muli %iota3A, %mul3A_249 : vector<16xi32>
          %mul3A_251 = arith.constant 16 : i32
          %mul3A_252 = arith.muli %mul3A_88, %mul3A_251 : i32
          %add3A_253 = arith.constant 12 : i32
          %add3A_254 = arith.addi %mul3A_252, %add3A_253 : i32
          %add3A_255 = vector.broadcast %add3A_254 : i32 to vector<16xi32>
          %add3A_256 = arith.addi %mul3A_250, %add3A_255 : vector<16xi32>
          tpu.vector_store_idx %arg6[%add3A_256], %get3A_247 : memref<8192xf32, #tpu.memory_space<vmem>>[vector<16xi32>], vector<16xf32>,
          %get3A_257 = arith.constant 13 : i32
          %get3A_258 = arith.index_cast %get3A_257 : i32 to index
          %get3A_259 = arith.index_cast %mul3A_88 : i32 to index
          %get3A_260 = tpu.vector_load %arg4[%get3A_258, %get3A_259] {strides = array<i32>} : memref<16x512xf32, #tpu.memory_space<vmem>>, vector<16xf32>,
          %mul3A_261 = arith.constant 16 : i32
          %mul3A_262 = vector.broadcast %mul3A_261 : i32 to vector<16xi32>
          %mul3A_263 = arith.muli %iota3A, %mul3A_262 : vector<16xi32>
          %mul3A_264 = arith.constant 16 : i32
          %mul3A_265 = arith.muli %mul3A_88, %mul3A_264 : i32
          %add3A_266 = arith.constant 13 : i32
          %add3A_267 = arith.addi %mul3A_265, %add3A_266 : i32
          %add3A_268 = vector.broadcast %add3A_267 : i32 to vector<16xi32>
          %add3A_269 = arith.addi %mul3A_263, %add3A_268 : vector<16xi32>
          tpu.vector_store_idx %arg6[%add3A_269], %get3A_260 : memref<8192xf32, #tpu.memory_space<vmem>>[vector<16xi32>], vector<16xf32>,
          %get3A_270 = arith.constant 14 : i32
          %get3A_271 = arith.index_cast %get3A_270 : i32 to index
          %get3A_272 = arith.index_cast %mul3A_88 : i32 to index
          %get3A_273 = tpu.vector_load %arg4[%get3A_271, %get3A_272] {strides = array<i32>} : memref<16x512xf32, #tpu.memory_space<vmem>>, vector<16xf32>,
          %mul3A_274 = arith.constant 16 : i32
          %mul3A_275 = vector.broadcast %mul3A_274 : i32 to vector<16xi32>
          %mul3A_276 = arith.muli %iota3A, %mul3A_275 : vector<16xi32>
          %mul3A_277 = arith.constant 16 : i32
          %mul3A_278 = arith.muli %mul3A_88, %mul3A_277 : i32
          %add3A_279 = arith.constant 14 : i32
          %add3A_280 = arith.addi %mul3A_278, %add3A_279 : i32
          %add3A_281 = vector.broadcast %add3A_280 : i32 to vector<16xi32>
          %add3A_282 = arith.addi %mul3A_276, %add3A_281 : vector<16xi32>
          tpu.vector_store_idx %arg6[%add3A_282], %get3A_273 : memref<8192xf32, #tpu.memory_space<vmem>>[vector<16xi32>], vector<16xf32>,
          %get3A_283 = arith.constant 15 : i32
          %get3A_284 = arith.index_cast %get3A_283 : i32 to index
          %get3A_285 = arith.index_cast %mul3A_88 : i32 to index
          %get3A_286 = tpu.vector_load %arg4[%get3A_284, %get3A_285] {strides = array<i32>} : memref<16x512xf32, #tpu.memory_space<vmem>>, vector<16xf32>,
          %mul3A_287 = arith.constant 16 : i32
          %mul3A_288 = vector.broadcast %mul3A_287 : i32 to vector<16xi32>
          %mul3A_289 = arith.muli %iota3A, %mul3A_288 : vector<16xi32>
          %mul3A_290 = arith.constant 16 : i32
          %mul3A_291 = arith.muli %mul3A_88, %mul3A_290 : i32
          %add3A_292 = arith.constant 15 : i32
          %add3A_293 = arith.addi %mul3A_291, %add3A_292 : i32
          %add3A_294 = vector.broadcast %add3A_293 : i32 to vector<16xi32>
          %add3A_295 = arith.addi %mul3A_289, %add3A_294 : vector<16xi32>
          tpu.vector_store_idx %arg6[%add3A_295], %get3A_286 : memref<8192xf32, #tpu.memory_space<vmem>>[vector<16xi32>], vector<16xf32>,
        }
        %scan3A_70 = arith.constant 32 : i32
        %mul3A_71 = arith.constant 512 : i32
        %mul3A_72 = arith.muli %add3A_39, %mul3A_71 : i32
        %add3A_73 = arith.addi %mul3A_2, %mul3A_72 : i32
        %mul3A_74 = arith.constant 16 : i32
        %mul3A_75 = arith.muli %add3A_73, %mul3A_74 : i32
        %multiple_of3A_76 = tpu.assume_multiple %mul3A_75, 8 : i32
        %dma_start3A_77 = tpu.memref_slice %arg3[%multiple_of3A_76] : memref<16000000xf32, #tpu.memory_space<hbm>> -> memref<8192xf32, #tpu.memory_space<hbm>>
        %dma_start3A_78 = tpu.memref_slice %arg3[%multiple_of3A_76] : memref<16000000xf32, #tpu.memory_space<hbm>> -> memref<8192xf32, #tpu.memory_space<hbm>>
        tpu.enqueue_dma source(%arg6 : memref<8192xf32, #tpu.memory_space<vmem>>) target(%dma_start3A_78 : memref<8192xf32, #tpu.memory_space<hbm>>) target_semaphore(%arg10 : memref<!tpu.dma_semaphore, #tpu.memory_space<semaphore_mem>>)
        %add3A_79 = arith.constant 2 : i32
        %add3A_80 = arith.addi %add3A_39, %add3A_79 : i32
        %lt3A_81 = arith.constant 61 : i32
        %lt3A_82 = arith.cmpi slt, %add3A_80, %lt3A_81 : i32
        %convert_element_type3A_83 = arith.extui %lt3A_82 : i1 to i32
        %cond3A_84 = arith.constant 0 : i32
        %cond3A_85 = arith.cmpi ne, %convert_element_type3A_83, %cond3A_84 : i32
        scf.if %cond3A_85 {
          %add3A_86 = arith.constant 2 : i32
          %add3A_87 = arith.addi %add3A_39, %add3A_86 : i32
          %mul3A_88 = arith.constant 512 : i32
          %mul3A_89 = arith.muli %add3A_87, %mul3A_88 : i32
          %add3A_90 = arith.addi %mul3A_2, %mul3A_89 : i32
          %multiple_of3A_91 = tpu.assume_multiple %add3A_90, 128 : i32
          %dma_start3A_92 = arith.constant 0 : i32
          %dma_start3A_93 = tpu.memref_slice %arg2[%dma_start3A_92, %multiple_of3A_91] : memref<16x1000000xf32, #tpu.memory_space<hbm>> -> memref<16x512xf32, #tpu.memory_space<hbm>>
          %dma_start3A_94 = arith.constant 0 : i32
          %dma_start3A_95 = tpu.memref_slice %arg2[%dma_start3A_94, %multiple_of3A_91] : memref<16x1000000xf32, #tpu.memory_space<hbm>> -> memref<16x512xf32, #tpu.memory_space<hbm>>
          tpu.enqueue_dma source(%dma_start3A_95 : memref<16x512xf32, #tpu.memory_space<hbm>>) target(%arg4 : memref<16x512xf32, #tpu.memory_space<vmem>>) target_semaphore(%arg8 : memref<!tpu.dma_semaphore, #tpu.memory_space<semaphore_mem>>)
        } else {
        }
      } else {
      }
      %mul3A_44 = arith.constant 2 : i32
      %mul3A_45 = arith.muli %mul3A_44, %scan3A_35 : i32
      %add3A_46 = arith.constant 1 : i32
      %add3A_47 = arith.addi %mul3A_45, %add3A_46 : i32
      %lt3A_48 = arith.constant 61 : i32
      %lt3A_49 = arith.cmpi slt, %add3A_47, %lt3A_48 : i32
      %convert_element_type3A_50 = arith.extui %lt3A_49 : i1 to i32
      %cond3A_51 = arith.constant 0 : i32
      %cond3A_52 = arith.cmpi ne, %convert_element_type3A_50, %cond3A_51 : i32
      scf.if %cond3A_52 {
        %mul3A_53 = arith.constant 512 : i32
        %mul3A_54 = arith.muli %add3A_47, %mul3A_53 : i32
        %add3A_55 = arith.addi %mul3A_2, %mul3A_54 : i32
        %multiple_of3A_56 = tpu.assume_multiple %add3A_55, 128 : i32
        %dma_wait3A_57 = arith.constant 0 : i32
        %dma_wait3A_58 = tpu.memref_slice %arg2[%dma_wait3A_57, %multiple_of3A_56] : memref<16x1000000xf32, #tpu.memory_space<hbm>> -> memref<16x512xf32, #tpu.memory_space<hbm>>
        %dma_wait3A_59 = arith.constant 0 : i32
        %dma_wait3A_60 = tpu.memref_slice %arg2[%dma_wait3A_59, %multiple_of3A_56] : memref<16x1000000xf32, #tpu.memory_space<hbm>> -> memref<16x512xf32, #tpu.memory_space<hbm>>
        tpu.wait_dma2 semaphore(%arg9 : memref<!tpu.dma_semaphore, #tpu.memory_space<semaphore_mem>>) src(%dma_wait3A_60 : memref<16x512xf32, #tpu.memory_space<hbm>>) dst(%arg5 : memref<16x512xf32, #tpu.memory_space<vmem>>)
        %ge3A = arith.constant 1 : i32
        %ge3A_61 = arith.cmpi sge, %scan3A_35, %ge3A : i32
        %convert_element_type3A_62 = arith.extui %ge3A_61 : i1 to i32
        %cond3A_63 = arith.constant 0 : i32
        %cond3A_64 = arith.cmpi ne, %convert_element_type3A_62, %cond3A_63 : i32
        scf.if %cond3A_64 {
          %sub3A = arith.constant 2 : i32
          %sub3A_86 = arith.subi %add3A_47, %sub3A : i32
          %mul3A_87 = arith.constant 512 : i32
          %mul3A_88 = arith.muli %sub3A_86, %mul3A_87 : i32
          %add3A_89 = arith.addi %mul3A_2, %mul3A_88 : i32
          %mul3A_90 = arith.constant 16 : i32
          %mul3A_91 = arith.muli %add3A_89, %mul3A_90 : i32
          %multiple_of3A_92 = tpu.assume_multiple %mul3A_91, 8 : i32
          %dma_wait3A_93 = tpu.memref_slice %arg3[%multiple_of3A_92] : memref<16000000xf32, #tpu.memory_space<hbm>> -> memref<8192xf32, #tpu.memory_space<hbm>>
          %dma_wait3A_94 = tpu.memref_slice %arg3[%multiple_of3A_92] : memref<16000000xf32, #tpu.memory_space<hbm>> -> memref<8192xf32, #tpu.memory_space<hbm>>
          tpu.wait_dma2 semaphore(%arg11 : memref<!tpu.dma_semaphore, #tpu.memory_space<semaphore_mem>>) src(%arg7 : memref<8192xf32, #tpu.memory_space<vmem>>) dst(%dma_wait3A_94 : memref<8192xf32, #tpu.memory_space<hbm>>)
        } else {
        }
        %scan3A_65 = arith.constant 0 : i32
        %scan3A_66 = arith.constant 0 : i32
        %scan3A_67 = arith.constant 32 : i32
        %scan3A_68 = arith.addi %scan3A_66, %scan3A_67 : i32
        %scan3A_69 = arith.constant 1 : i32
        scf.for %scan3A_86 = %scan3A_66 to %scan3A_68 step %scan3A_69  : i32 {
          %mul3A_87 = arith.constant 16 : i32
          %mul3A_88 = arith.muli %scan3A_86, %mul3A_87 : i32
          %get3A = arith.constant 0 : i32
          %get3A_89 = arith.index_cast %get3A : i32 to index
          %get3A_90 = arith.index_cast %mul3A_88 : i32 to index
          %get3A_91 = tpu.vector_load %arg5[%get3A_89, %get3A_90] {strides = array<i32>} : memref<16x512xf32, #tpu.memory_space<vmem>>, vector<16xf32>,
          %mul3A_92 = arith.constant 16 : i32
          %mul3A_93 = vector.broadcast %mul3A_92 : i32 to vector<16xi32>
          %mul3A_94 = arith.muli %iota3A, %mul3A_93 : vector<16xi32>
          %mul3A_95 = arith.constant 16 : i32
          %mul3A_96 = arith.muli %mul3A_88, %mul3A_95 : i32
          %add3A_97 = arith.constant 0 : i32
          %add3A_98 = arith.addi %mul3A_96, %add3A_97 : i32
          %add3A_99 = vector.broadcast %add3A_98 : i32 to vector<16xi32>
          %add3A_100 = arith.addi %mul3A_94, %add3A_99 : vector<16xi32>
          tpu.vector_store_idx %arg7[%add3A_100], %get3A_91 : memref<8192xf32, #tpu.memory_space<vmem>>[vector<16xi32>], vector<16xf32>,
          %get3A_101 = arith.constant 1 : i32
          %get3A_102 = arith.index_cast %get3A_101 : i32 to index
          %get3A_103 = arith.index_cast %mul3A_88 : i32 to index
          %get3A_104 = tpu.vector_load %arg5[%get3A_102, %get3A_103] {strides = array<i32>} : memref<16x512xf32, #tpu.memory_space<vmem>>, vector<16xf32>,
          %mul3A_105 = arith.constant 16 : i32
          %mul3A_106 = vector.broadcast %mul3A_105 : i32 to vector<16xi32>
          %mul3A_107 = arith.muli %iota3A, %mul3A_106 : vector<16xi32>
          %mul3A_108 = arith.constant 16 : i32
          %mul3A_109 = arith.muli %mul3A_88, %mul3A_108 : i32
          %add3A_110 = arith.constant 1 : i32
          %add3A_111 = arith.addi %mul3A_109, %add3A_110 : i32
          %add3A_112 = vector.broadcast %add3A_111 : i32 to vector<16xi32>
          %add3A_113 = arith.addi %mul3A_107, %add3A_112 : vector<16xi32>
          tpu.vector_store_idx %arg7[%add3A_113], %get3A_104 : memref<8192xf32, #tpu.memory_space<vmem>>[vector<16xi32>], vector<16xf32>,
          %get3A_114 = arith.constant 2 : i32
          %get3A_115 = arith.index_cast %get3A_114 : i32 to index
          %get3A_116 = arith.index_cast %mul3A_88 : i32 to index
          %get3A_117 = tpu.vector_load %arg5[%get3A_115, %get3A_116] {strides = array<i32>} : memref<16x512xf32, #tpu.memory_space<vmem>>, vector<16xf32>,
          %mul3A_118 = arith.constant 16 : i32
          %mul3A_119 = vector.broadcast %mul3A_118 : i32 to vector<16xi32>
          %mul3A_120 = arith.muli %iota3A, %mul3A_119 : vector<16xi32>
          %mul3A_121 = arith.constant 16 : i32
          %mul3A_122 = arith.muli %mul3A_88, %mul3A_121 : i32
          %add3A_123 = arith.constant 2 : i32
          %add3A_124 = arith.addi %mul3A_122, %add3A_123 : i32
          %add3A_125 = vector.broadcast %add3A_124 : i32 to vector<16xi32>
          %add3A_126 = arith.addi %mul3A_120, %add3A_125 : vector<16xi32>
          tpu.vector_store_idx %arg7[%add3A_126], %get3A_117 : memref<8192xf32, #tpu.memory_space<vmem>>[vector<16xi32>], vector<16xf32>,
          %get3A_127 = arith.constant 3 : i32
          %get3A_128 = arith.index_cast %get3A_127 : i32 to index
          %get3A_129 = arith.index_cast %mul3A_88 : i32 to index
          %get3A_130 = tpu.vector_load %arg5[%get3A_128, %get3A_129] {strides = array<i32>} : memref<16x512xf32, #tpu.memory_space<vmem>>, vector<16xf32>,
          %mul3A_131 = arith.constant 16 : i32
          %mul3A_132 = vector.broadcast %mul3A_131 : i32 to vector<16xi32>
          %mul3A_133 = arith.muli %iota3A, %mul3A_132 : vector<16xi32>
          %mul3A_134 = arith.constant 16 : i32
          %mul3A_135 = arith.muli %mul3A_88, %mul3A_134 : i32
          %add3A_136 = arith.constant 3 : i32
          %add3A_137 = arith.addi %mul3A_135, %add3A_136 : i32
          %add3A_138 = vector.broadcast %add3A_137 : i32 to vector<16xi32>
          %add3A_139 = arith.addi %mul3A_133, %add3A_138 : vector<16xi32>
          tpu.vector_store_idx %arg7[%add3A_139], %get3A_130 : memref<8192xf32, #tpu.memory_space<vmem>>[vector<16xi32>], vector<16xf32>,
          %get3A_140 = arith.constant 4 : i32
          %get3A_141 = arith.index_cast %get3A_140 : i32 to index
          %get3A_142 = arith.index_cast %mul3A_88 : i32 to index
          %get3A_143 = tpu.vector_load %arg5[%get3A_141, %get3A_142] {strides = array<i32>} : memref<16x512xf32, #tpu.memory_space<vmem>>, vector<16xf32>,
          %mul3A_144 = arith.constant 16 : i32
          %mul3A_145 = vector.broadcast %mul3A_144 : i32 to vector<16xi32>
          %mul3A_146 = arith.muli %iota3A, %mul3A_145 : vector<16xi32>
          %mul3A_147 = arith.constant 16 : i32
          %mul3A_148 = arith.muli %mul3A_88, %mul3A_147 : i32
          %add3A_149 = arith.constant 4 : i32
          %add3A_150 = arith.addi %mul3A_148, %add3A_149 : i32
          %add3A_151 = vector.broadcast %add3A_150 : i32 to vector<16xi32>
          %add3A_152 = arith.addi %mul3A_146, %add3A_151 : vector<16xi32>
          tpu.vector_store_idx %arg7[%add3A_152], %get3A_143 : memref<8192xf32, #tpu.memory_space<vmem>>[vector<16xi32>], vector<16xf32>,
          %get3A_153 = arith.constant 5 : i32
          %get3A_154 = arith.index_cast %get3A_153 : i32 to index
          %get3A_155 = arith.index_cast %mul3A_88 : i32 to index
          %get3A_156 = tpu.vector_load %arg5[%get3A_154, %get3A_155] {strides = array<i32>} : memref<16x512xf32, #tpu.memory_space<vmem>>, vector<16xf32>,
          %mul3A_157 = arith.constant 16 : i32
          %mul3A_158 = vector.broadcast %mul3A_157 : i32 to vector<16xi32>
          %mul3A_159 = arith.muli %iota3A, %mul3A_158 : vector<16xi32>
          %mul3A_160 = arith.constant 16 : i32
          %mul3A_161 = arith.muli %mul3A_88, %mul3A_160 : i32
          %add3A_162 = arith.constant 5 : i32
          %add3A_163 = arith.addi %mul3A_161, %add3A_162 : i32
          %add3A_164 = vector.broadcast %add3A_163 : i32 to vector<16xi32>
          %add3A_165 = arith.addi %mul3A_159, %add3A_164 : vector<16xi32>
          tpu.vector_store_idx %arg7[%add3A_165], %get3A_156 : memref<8192xf32, #tpu.memory_space<vmem>>[vector<16xi32>], vector<16xf32>,
          %get3A_166 = arith.constant 6 : i32
          %get3A_167 = arith.index_cast %get3A_166 : i32 to index
          %get3A_168 = arith.index_cast %mul3A_88 : i32 to index
          %get3A_169 = tpu.vector_load %arg5[%get3A_167, %get3A_168] {strides = array<i32>} : memref<16x512xf32, #tpu.memory_space<vmem>>, vector<16xf32>,
          %mul3A_170 = arith.constant 16 : i32
          %mul3A_171 = vector.broadcast %mul3A_170 : i32 to vector<16xi32>
          %mul3A_172 = arith.muli %iota3A, %mul3A_171 : vector<16xi32>
          %mul3A_173 = arith.constant 16 : i32
          %mul3A_174 = arith.muli %mul3A_88, %mul3A_173 : i32
          %add3A_175 = arith.constant 6 : i32
          %add3A_176 = arith.addi %mul3A_174, %add3A_175 : i32
          %add3A_177 = vector.broadcast %add3A_176 : i32 to vector<16xi32>
          %add3A_178 = arith.addi %mul3A_172, %add3A_177 : vector<16xi32>
          tpu.vector_store_idx %arg7[%add3A_178], %get3A_169 : memref<8192xf32, #tpu.memory_space<vmem>>[vector<16xi32>], vector<16xf32>,
          %get3A_179 = arith.constant 7 : i32
          %get3A_180 = arith.index_cast %get3A_179 : i32 to index
          %get3A_181 = arith.index_cast %mul3A_88 : i32 to index
          %get3A_182 = tpu.vector_load %arg5[%get3A_180, %get3A_181] {strides = array<i32>} : memref<16x512xf32, #tpu.memory_space<vmem>>, vector<16xf32>,
          %mul3A_183 = arith.constant 16 : i32
          %mul3A_184 = vector.broadcast %mul3A_183 : i32 to vector<16xi32>
          %mul3A_185 = arith.muli %iota3A, %mul3A_184 : vector<16xi32>
          %mul3A_186 = arith.constant 16 : i32
          %mul3A_187 = arith.muli %mul3A_88, %mul3A_186 : i32
          %add3A_188 = arith.constant 7 : i32
          %add3A_189 = arith.addi %mul3A_187, %add3A_188 : i32
          %add3A_190 = vector.broadcast %add3A_189 : i32 to vector<16xi32>
          %add3A_191 = arith.addi %mul3A_185, %add3A_190 : vector<16xi32>
          tpu.vector_store_idx %arg7[%add3A_191], %get3A_182 : memref<8192xf32, #tpu.memory_space<vmem>>[vector<16xi32>], vector<16xf32>,
          %get3A_192 = arith.constant 8 : i32
          %get3A_193 = arith.index_cast %get3A_192 : i32 to index
          %get3A_194 = arith.index_cast %mul3A_88 : i32 to index
          %get3A_195 = tpu.vector_load %arg5[%get3A_193, %get3A_194] {strides = array<i32>} : memref<16x512xf32, #tpu.memory_space<vmem>>, vector<16xf32>,
          %mul3A_196 = arith.constant 16 : i32
          %mul3A_197 = vector.broadcast %mul3A_196 : i32 to vector<16xi32>
          %mul3A_198 = arith.muli %iota3A, %mul3A_197 : vector<16xi32>
          %mul3A_199 = arith.constant 16 : i32
          %mul3A_200 = arith.muli %mul3A_88, %mul3A_199 : i32
          %add3A_201 = arith.constant 8 : i32
          %add3A_202 = arith.addi %mul3A_200, %add3A_201 : i32
          %add3A_203 = vector.broadcast %add3A_202 : i32 to vector<16xi32>
          %add3A_204 = arith.addi %mul3A_198, %add3A_203 : vector<16xi32>
          tpu.vector_store_idx %arg7[%add3A_204], %get3A_195 : memref<8192xf32, #tpu.memory_space<vmem>>[vector<16xi32>], vector<16xf32>,
          %get3A_205 = arith.constant 9 : i32
          %get3A_206 = arith.index_cast %get3A_205 : i32 to index
          %get3A_207 = arith.index_cast %mul3A_88 : i32 to index
          %get3A_208 = tpu.vector_load %arg5[%get3A_206, %get3A_207] {strides = array<i32>} : memref<16x512xf32, #tpu.memory_space<vmem>>, vector<16xf32>,
          %mul3A_209 = arith.constant 16 : i32
          %mul3A_210 = vector.broadcast %mul3A_209 : i32 to vector<16xi32>
          %mul3A_211 = arith.muli %iota3A, %mul3A_210 : vector<16xi32>
          %mul3A_212 = arith.constant 16 : i32
          %mul3A_213 = arith.muli %mul3A_88, %mul3A_212 : i32
          %add3A_214 = arith.constant 9 : i32
          %add3A_215 = arith.addi %mul3A_213, %add3A_214 : i32
          %add3A_216 = vector.broadcast %add3A_215 : i32 to vector<16xi32>
          %add3A_217 = arith.addi %mul3A_211, %add3A_216 : vector<16xi32>
          tpu.vector_store_idx %arg7[%add3A_217], %get3A_208 : memref<8192xf32, #tpu.memory_space<vmem>>[vector<16xi32>], vector<16xf32>,
          %get3A_218 = arith.constant 10 : i32
          %get3A_219 = arith.index_cast %get3A_218 : i32 to index
          %get3A_220 = arith.index_cast %mul3A_88 : i32 to index
          %get3A_221 = tpu.vector_load %arg5[%get3A_219, %get3A_220] {strides = array<i32>} : memref<16x512xf32, #tpu.memory_space<vmem>>, vector<16xf32>,
          %mul3A_222 = arith.constant 16 : i32
          %mul3A_223 = vector.broadcast %mul3A_222 : i32 to vector<16xi32>
          %mul3A_224 = arith.muli %iota3A, %mul3A_223 : vector<16xi32>
          %mul3A_225 = arith.constant 16 : i32
          %mul3A_226 = arith.muli %mul3A_88, %mul3A_225 : i32
          %add3A_227 = arith.constant 10 : i32
          %add3A_228 = arith.addi %mul3A_226, %add3A_227 : i32
          %add3A_229 = vector.broadcast %add3A_228 : i32 to vector<16xi32>
          %add3A_230 = arith.addi %mul3A_224, %add3A_229 : vector<16xi32>
          tpu.vector_store_idx %arg7[%add3A_230], %get3A_221 : memref<8192xf32, #tpu.memory_space<vmem>>[vector<16xi32>], vector<16xf32>,
          %get3A_231 = arith.constant 11 : i32
          %get3A_232 = arith.index_cast %get3A_231 : i32 to index
          %get3A_233 = arith.index_cast %mul3A_88 : i32 to index
          %get3A_234 = tpu.vector_load %arg5[%get3A_232, %get3A_233] {strides = array<i32>} : memref<16x512xf32, #tpu.memory_space<vmem>>, vector<16xf32>,
          %mul3A_235 = arith.constant 16 : i32
          %mul3A_236 = vector.broadcast %mul3A_235 : i32 to vector<16xi32>
          %mul3A_237 = arith.muli %iota3A, %mul3A_236 : vector<16xi32>
          %mul3A_238 = arith.constant 16 : i32
          %mul3A_239 = arith.muli %mul3A_88, %mul3A_238 : i32
          %add3A_240 = arith.constant 11 : i32
          %add3A_241 = arith.addi %mul3A_239, %add3A_240 : i32
          %add3A_242 = vector.broadcast %add3A_241 : i32 to vector<16xi32>
          %add3A_243 = arith.addi %mul3A_237, %add3A_242 : vector<16xi32>
          tpu.vector_store_idx %arg7[%add3A_243], %get3A_234 : memref<8192xf32, #tpu.memory_space<vmem>>[vector<16xi32>], vector<16xf32>,
          %get3A_244 = arith.constant 12 : i32
          %get3A_245 = arith.index_cast %get3A_244 : i32 to index
          %get3A_246 = arith.index_cast %mul3A_88 : i32 to index
          %get3A_247 = tpu.vector_load %arg5[%get3A_245, %get3A_246] {strides = array<i32>} : memref<16x512xf32, #tpu.memory_space<vmem>>, vector<16xf32>,
          %mul3A_248 = arith.constant 16 : i32
          %mul3A_249 = vector.broadcast %mul3A_248 : i32 to vector<16xi32>
          %mul3A_250 = arith.muli %iota3A, %mul3A_249 : vector<16xi32>
          %mul3A_251 = arith.constant 16 : i32
          %mul3A_252 = arith.muli %mul3A_88, %mul3A_251 : i32
          %add3A_253 = arith.constant 12 : i32
          %add3A_254 = arith.addi %mul3A_252, %add3A_253 : i32
          %add3A_255 = vector.broadcast %add3A_254 : i32 to vector<16xi32>
          %add3A_256 = arith.addi %mul3A_250, %add3A_255 : vector<16xi32>
          tpu.vector_store_idx %arg7[%add3A_256], %get3A_247 : memref<8192xf32, #tpu.memory_space<vmem>>[vector<16xi32>], vector<16xf32>,
          %get3A_257 = arith.constant 13 : i32
          %get3A_258 = arith.index_cast %get3A_257 : i32 to index
          %get3A_259 = arith.index_cast %mul3A_88 : i32 to index
          %get3A_260 = tpu.vector_load %arg5[%get3A_258, %get3A_259] {strides = array<i32>} : memref<16x512xf32, #tpu.memory_space<vmem>>, vector<16xf32>,
          %mul3A_261 = arith.constant 16 : i32
          %mul3A_262 = vector.broadcast %mul3A_261 : i32 to vector<16xi32>
          %mul3A_263 = arith.muli %iota3A, %mul3A_262 : vector<16xi32>
          %mul3A_264 = arith.constant 16 : i32
          %mul3A_265 = arith.muli %mul3A_88, %mul3A_264 : i32
          %add3A_266 = arith.constant 13 : i32
          %add3A_267 = arith.addi %mul3A_265, %add3A_266 : i32
          %add3A_268 = vector.broadcast %add3A_267 : i32 to vector<16xi32>
          %add3A_269 = arith.addi %mul3A_263, %add3A_268 : vector<16xi32>
          tpu.vector_store_idx %arg7[%add3A_269], %get3A_260 : memref<8192xf32, #tpu.memory_space<vmem>>[vector<16xi32>], vector<16xf32>,
          %get3A_270 = arith.constant 14 : i32
          %get3A_271 = arith.index_cast %get3A_270 : i32 to index
          %get3A_272 = arith.index_cast %mul3A_88 : i32 to index
          %get3A_273 = tpu.vector_load %arg5[%get3A_271, %get3A_272] {strides = array<i32>} : memref<16x512xf32, #tpu.memory_space<vmem>>, vector<16xf32>,
          %mul3A_274 = arith.constant 16 : i32
          %mul3A_275 = vector.broadcast %mul3A_274 : i32 to vector<16xi32>
          %mul3A_276 = arith.muli %iota3A, %mul3A_275 : vector<16xi32>
          %mul3A_277 = arith.constant 16 : i32
          %mul3A_278 = arith.muli %mul3A_88, %mul3A_277 : i32
          %add3A_279 = arith.constant 14 : i32
          %add3A_280 = arith.addi %mul3A_278, %add3A_279 : i32
          %add3A_281 = vector.broadcast %add3A_280 : i32 to vector<16xi32>
          %add3A_282 = arith.addi %mul3A_276, %add3A_281 : vector<16xi32>
          tpu.vector_store_idx %arg7[%add3A_282], %get3A_273 : memref<8192xf32, #tpu.memory_space<vmem>>[vector<16xi32>], vector<16xf32>,
          %get3A_283 = arith.constant 15 : i32
          %get3A_284 = arith.index_cast %get3A_283 : i32 to index
          %get3A_285 = arith.index_cast %mul3A_88 : i32 to index
          %get3A_286 = tpu.vector_load %arg5[%get3A_284, %get3A_285] {strides = array<i32>} : memref<16x512xf32, #tpu.memory_space<vmem>>, vector<16xf32>,
          %mul3A_287 = arith.constant 16 : i32
          %mul3A_288 = vector.broadcast %mul3A_287 : i32 to vector<16xi32>
          %mul3A_289 = arith.muli %iota3A, %mul3A_288 : vector<16xi32>
          %mul3A_290 = arith.constant 16 : i32
          %mul3A_291 = arith.muli %mul3A_88, %mul3A_290 : i32
          %add3A_292 = arith.constant 15 : i32
          %add3A_293 = arith.addi %mul3A_291, %add3A_292 : i32
          %add3A_294 = vector.broadcast %add3A_293 : i32 to vector<16xi32>
          %add3A_295 = arith.addi %mul3A_289, %add3A_294 : vector<16xi32>
          tpu.vector_store_idx %arg7[%add3A_295], %get3A_286 : memref<8192xf32, #tpu.memory_space<vmem>>[vector<16xi32>], vector<16xf32>,
        }
        %scan3A_70 = arith.constant 32 : i32
        %mul3A_71 = arith.constant 512 : i32
        %mul3A_72 = arith.muli %add3A_47, %mul3A_71 : i32
        %add3A_73 = arith.addi %mul3A_2, %mul3A_72 : i32
        %mul3A_74 = arith.constant 16 : i32
        %mul3A_75 = arith.muli %add3A_73, %mul3A_74 : i32
        %multiple_of3A_76 = tpu.assume_multiple %mul3A_75, 8 : i32
        %dma_start3A_77 = tpu.memref_slice %arg3[%multiple_of3A_76] : memref<16000000xf32, #tpu.memory_space<hbm>> -> memref<8192xf32, #tpu.memory_space<hbm>>
        %dma_start3A_78 = tpu.memref_slice %arg3[%multiple_of3A_76] : memref<16000000xf32, #tpu.memory_space<hbm>> -> memref<8192xf32, #tpu.memory_space<hbm>>
        tpu.enqueue_dma source(%arg7 : memref<8192xf32, #tpu.memory_space<vmem>>) target(%dma_start3A_78 : memref<8192xf32, #tpu.memory_space<hbm>>) target_semaphore(%arg11 : memref<!tpu.dma_semaphore, #tpu.memory_space<semaphore_mem>>)
        %add3A_79 = arith.constant 2 : i32
        %add3A_80 = arith.addi %add3A_47, %add3A_79 : i32
        %lt3A_81 = arith.constant 61 : i32
        %lt3A_82 = arith.cmpi slt, %add3A_80, %lt3A_81 : i32
        %convert_element_type3A_83 = arith.extui %lt3A_82 : i1 to i32
        %cond3A_84 = arith.constant 0 : i32
        %cond3A_85 = arith.cmpi ne, %convert_element_type3A_83, %cond3A_84 : i32
        scf.if %cond3A_85 {
          %add3A_86 = arith.constant 2 : i32
          %add3A_87 = arith.addi %add3A_47, %add3A_86 : i32
          %mul3A_88 = arith.constant 512 : i32
          %mul3A_89 = arith.muli %add3A_87, %mul3A_88 : i32
          %add3A_90 = arith.addi %mul3A_2, %mul3A_89 : i32
          %multiple_of3A_91 = tpu.assume_multiple %add3A_90, 128 : i32
          %dma_start3A_92 = arith.constant 0 : i32
          %dma_start3A_93 = tpu.memref_slice %arg2[%dma_start3A_92, %multiple_of3A_91] : memref<16x1000000xf32, #tpu.memory_space<hbm>> -> memref<16x512xf32, #tpu.memory_space<hbm>>
          %dma_start3A_94 = arith.constant 0 : i32
          %dma_start3A_95 = tpu.memref_slice %arg2[%dma_start3A_94, %multiple_of3A_91] : memref<16x1000000xf32, #tpu.memory_space<hbm>> -> memref<16x512xf32, #tpu.memory_space<hbm>>
          tpu.enqueue_dma source(%dma_start3A_95 : memref<16x512xf32, #tpu.memory_space<hbm>>) target(%arg5 : memref<16x512xf32, #tpu.memory_space<vmem>>) target_semaphore(%arg9 : memref<!tpu.dma_semaphore, #tpu.memory_space<semaphore_mem>>)
        } else {
        }
      } else {
      }
    }
    %scan3A_19 = arith.constant 31 : i32
    %add3A_20 = arith.constant 30208 : i32
    %add3A_21 = arith.addi %mul3A_2, %add3A_20 : i32
    %mul3A_22 = arith.constant 16 : i32
    %mul3A_23 = arith.muli %add3A_21, %mul3A_22 : i32
    %multiple_of3A_24 = tpu.assume_multiple %mul3A_23, 8 : i32
    %dma_wait3A = tpu.memref_slice %arg3[%multiple_of3A_24] : memref<16000000xf32, #tpu.memory_space<hbm>> -> memref<8192xf32, #tpu.memory_space<hbm>>
    %dma_wait3A_25 = tpu.memref_slice %arg3[%multiple_of3A_24] : memref<16000000xf32, #tpu.memory_space<hbm>> -> memref<8192xf32, #tpu.memory_space<hbm>>
    tpu.wait_dma2 semaphore(%arg11 : memref<!tpu.dma_semaphore, #tpu.memory_space<semaphore_mem>>) src(%arg7 : memref<8192xf32, #tpu.memory_space<vmem>>) dst(%dma_wait3A_25 : memref<8192xf32, #tpu.memory_space<hbm>>)
    %add3A_26 = arith.constant 30720 : i32
    %add3A_27 = arith.addi %mul3A_2, %add3A_26 : i32
    %mul3A_28 = arith.constant 16 : i32
    %mul3A_29 = arith.muli %add3A_27, %mul3A_28 : i32
    %multiple_of3A_30 = tpu.assume_multiple %mul3A_29, 8 : i32
    %dma_wait3A_31 = tpu.memref_slice %arg3[%multiple_of3A_30] : memref<16000000xf32, #tpu.memory_space<hbm>> -> memref<8192xf32, #tpu.memory_space<hbm>>
    %dma_wait3A_32 = tpu.memref_slice %arg3[%multiple_of3A_30] : memref<16000000xf32, #tpu.memory_space<hbm>> -> memref<8192xf32, #tpu.memory_space<hbm>>
    tpu.wait_dma2 semaphore(%arg10 : memref<!tpu.dma_semaphore, #tpu.memory_space<semaphore_mem>>) src(%arg6 : memref<8192xf32, #tpu.memory_space<vmem>>) dst(%dma_wait3A_32 : memref<8192xf32, #tpu.memory_space<hbm>>)
    %eq3A = arith.constant 31 : i32
    %eq3A_33 = arith.cmpi eq, %add3A, %eq3A : i32
    %convert_element_type3A = arith.extui %eq3A_33 : i1 to i32
    %cond3A = arith.constant 0 : i32
    %cond3A_34 = arith.cmpi ne, %convert_element_type3A, %cond3A : i32
    scf.if %cond3A_34 {
      "tpu.region"() ({
        %run_scoped3A = tpu.sem_alloc : memref<!tpu.dma_semaphore, #tpu.memory_space<semaphore_mem>>
        %dma_start3A_41 = arith.constant 0 : i32
        %dma_start3A_42 = arith.constant 999424 : i32
        %dma_start3A_43 = tpu.memref_slice %arg2[%dma_start3A_41, %dma_start3A_42] : memref<16x1000000xf32, #tpu.memory_space<hbm>> -> memref<16x512xf32, #tpu.memory_space<hbm>>
        %dma_start3A_44 = arith.constant 0 : i32
        %dma_start3A_45 = arith.constant 999424 : i32
        %dma_start3A_46 = tpu.memref_slice %arg2[%dma_start3A_44, %dma_start3A_45] : memref<16x1000000xf32, #tpu.memory_space<hbm>> -> memref<16x512xf32, #tpu.memory_space<hbm>>
        tpu.enqueue_dma source(%dma_start3A_46 : memref<16x512xf32, #tpu.memory_space<hbm>>) target(%arg4 : memref<16x512xf32, #tpu.memory_space<vmem>>) target_semaphore(%run_scoped3A : memref<!tpu.dma_semaphore, #tpu.memory_space<semaphore_mem>>)
        %dma_wait3A_47 = arith.constant 0 : i32
        %dma_wait3A_48 = arith.constant 999424 : i32
        %dma_wait3A_49 = tpu.memref_slice %arg2[%dma_wait3A_47, %dma_wait3A_48] : memref<16x1000000xf32, #tpu.memory_space<hbm>> -> memref<16x512xf32, #tpu.memory_space<hbm>>
        %dma_wait3A_50 = arith.constant 0 : i32
        %dma_wait3A_51 = arith.constant 999424 : i32
        %dma_wait3A_52 = tpu.memref_slice %arg2[%dma_wait3A_50, %dma_wait3A_51] : memref<16x1000000xf32, #tpu.memory_space<hbm>> -> memref<16x512xf32, #tpu.memory_space<hbm>>
        tpu.wait_dma2 semaphore(%run_scoped3A : memref<!tpu.dma_semaphore, #tpu.memory_space<semaphore_mem>>) src(%dma_wait3A_52 : memref<16x512xf32, #tpu.memory_space<hbm>>) dst(%arg4 : memref<16x512xf32, #tpu.memory_space<vmem>>)
        tpu.yield
      }) : () -> ()
      %scan3A_35 = arith.constant 0 : i32
      %scan3A_36 = arith.constant 0 : i32
      %scan3A_37 = arith.constant 32 : i32
      %scan3A_38 = arith.addi %scan3A_36, %scan3A_37 : i32
      %scan3A_39 = arith.constant 1 : i32
      scf.for %scan3A_41 = %scan3A_36 to %scan3A_38 step %scan3A_39  : i32 {
        %mul3A_42 = arith.constant 16 : i32
        %mul3A_43 = arith.muli %scan3A_41, %mul3A_42 : i32
        %get3A = arith.constant 0 : i32
        %get3A_44 = arith.index_cast %get3A : i32 to index
        %get3A_45 = arith.index_cast %mul3A_43 : i32 to index
        %get3A_46 = tpu.vector_load %arg4[%get3A_44, %get3A_45] {strides = array<i32>} : memref<16x512xf32, #tpu.memory_space<vmem>>, vector<16xf32>,
        %mul3A_47 = arith.constant 16 : i32
        %mul3A_48 = vector.broadcast %mul3A_47 : i32 to vector<16xi32>
        %mul3A_49 = arith.muli %iota3A, %mul3A_48 : vector<16xi32>
        %mul3A_50 = arith.constant 16 : i32
        %mul3A_51 = arith.muli %mul3A_43, %mul3A_50 : i32
        %add3A_52 = arith.constant 0 : i32
        %add3A_53 = arith.addi %mul3A_51, %add3A_52 : i32
        %add3A_54 = vector.broadcast %add3A_53 : i32 to vector<16xi32>
        %add3A_55 = arith.addi %mul3A_49, %add3A_54 : vector<16xi32>
        tpu.vector_store_idx %arg6[%add3A_55], %get3A_46 : memref<8192xf32, #tpu.memory_space<vmem>>[vector<16xi32>], vector<16xf32>,
        %get3A_56 = arith.constant 1 : i32
        %get3A_57 = arith.index_cast %get3A_56 : i32 to index
        %get3A_58 = arith.index_cast %mul3A_43 : i32 to index
        %get3A_59 = tpu.vector_load %arg4[%get3A_57, %get3A_58] {strides = array<i32>} : memref<16x512xf32, #tpu.memory_space<vmem>>, vector<16xf32>,
        %mul3A_60 = arith.constant 16 : i32
        %mul3A_61 = vector.broadcast %mul3A_60 : i32 to vector<16xi32>
        %mul3A_62 = arith.muli %iota3A, %mul3A_61 : vector<16xi32>
        %mul3A_63 = arith.constant 16 : i32
        %mul3A_64 = arith.muli %mul3A_43, %mul3A_63 : i32
        %add3A_65 = arith.constant 1 : i32
        %add3A_66 = arith.addi %mul3A_64, %add3A_65 : i32
        %add3A_67 = vector.broadcast %add3A_66 : i32 to vector<16xi32>
        %add3A_68 = arith.addi %mul3A_62, %add3A_67 : vector<16xi32>
        tpu.vector_store_idx %arg6[%add3A_68], %get3A_59 : memref<8192xf32, #tpu.memory_space<vmem>>[vector<16xi32>], vector<16xf32>,
        %get3A_69 = arith.constant 2 : i32
        %get3A_70 = arith.index_cast %get3A_69 : i32 to index
        %get3A_71 = arith.index_cast %mul3A_43 : i32 to index
        %get3A_72 = tpu.vector_load %arg4[%get3A_70, %get3A_71] {strides = array<i32>} : memref<16x512xf32, #tpu.memory_space<vmem>>, vector<16xf32>,
        %mul3A_73 = arith.constant 16 : i32
        %mul3A_74 = vector.broadcast %mul3A_73 : i32 to vector<16xi32>
        %mul3A_75 = arith.muli %iota3A, %mul3A_74 : vector<16xi32>
        %mul3A_76 = arith.constant 16 : i32
        %mul3A_77 = arith.muli %mul3A_43, %mul3A_76 : i32
        %add3A_78 = arith.constant 2 : i32
        %add3A_79 = arith.addi %mul3A_77, %add3A_78 : i32
        %add3A_80 = vector.broadcast %add3A_79 : i32 to vector<16xi32>
        %add3A_81 = arith.addi %mul3A_75, %add3A_80 : vector<16xi32>
        tpu.vector_store_idx %arg6[%add3A_81], %get3A_72 : memref<8192xf32, #tpu.memory_space<vmem>>[vector<16xi32>], vector<16xf32>,
        %get3A_82 = arith.constant 3 : i32
        %get3A_83 = arith.index_cast %get3A_82 : i32 to index
        %get3A_84 = arith.index_cast %mul3A_43 : i32 to index
        %get3A_85 = tpu.vector_load %arg4[%get3A_83, %get3A_84] {strides = array<i32>} : memref<16x512xf32, #tpu.memory_space<vmem>>, vector<16xf32>,
        %mul3A_86 = arith.constant 16 : i32
        %mul3A_87 = vector.broadcast %mul3A_86 : i32 to vector<16xi32>
        %mul3A_88 = arith.muli %iota3A, %mul3A_87 : vector<16xi32>
        %mul3A_89 = arith.constant 16 : i32
        %mul3A_90 = arith.muli %mul3A_43, %mul3A_89 : i32
        %add3A_91 = arith.constant 3 : i32
        %add3A_92 = arith.addi %mul3A_90, %add3A_91 : i32
        %add3A_93 = vector.broadcast %add3A_92 : i32 to vector<16xi32>
        %add3A_94 = arith.addi %mul3A_88, %add3A_93 : vector<16xi32>
        tpu.vector_store_idx %arg6[%add3A_94], %get3A_85 : memref<8192xf32, #tpu.memory_space<vmem>>[vector<16xi32>], vector<16xf32>,
        %get3A_95 = arith.constant 4 : i32
        %get3A_96 = arith.index_cast %get3A_95 : i32 to index
        %get3A_97 = arith.index_cast %mul3A_43 : i32 to index
        %get3A_98 = tpu.vector_load %arg4[%get3A_96, %get3A_97] {strides = array<i32>} : memref<16x512xf32, #tpu.memory_space<vmem>>, vector<16xf32>,
        %mul3A_99 = arith.constant 16 : i32
        %mul3A_100 = vector.broadcast %mul3A_99 : i32 to vector<16xi32>
        %mul3A_101 = arith.muli %iota3A, %mul3A_100 : vector<16xi32>
        %mul3A_102 = arith.constant 16 : i32
        %mul3A_103 = arith.muli %mul3A_43, %mul3A_102 : i32
        %add3A_104 = arith.constant 4 : i32
        %add3A_105 = arith.addi %mul3A_103, %add3A_104 : i32
        %add3A_106 = vector.broadcast %add3A_105 : i32 to vector<16xi32>
        %add3A_107 = arith.addi %mul3A_101, %add3A_106 : vector<16xi32>
        tpu.vector_store_idx %arg6[%add3A_107], %get3A_98 : memref<8192xf32, #tpu.memory_space<vmem>>[vector<16xi32>], vector<16xf32>,
        %get3A_108 = arith.constant 5 : i32
        %get3A_109 = arith.index_cast %get3A_108 : i32 to index
        %get3A_110 = arith.index_cast %mul3A_43 : i32 to index
        %get3A_111 = tpu.vector_load %arg4[%get3A_109, %get3A_110] {strides = array<i32>} : memref<16x512xf32, #tpu.memory_space<vmem>>, vector<16xf32>,
        %mul3A_112 = arith.constant 16 : i32
        %mul3A_113 = vector.broadcast %mul3A_112 : i32 to vector<16xi32>
        %mul3A_114 = arith.muli %iota3A, %mul3A_113 : vector<16xi32>
        %mul3A_115 = arith.constant 16 : i32
        %mul3A_116 = arith.muli %mul3A_43, %mul3A_115 : i32
        %add3A_117 = arith.constant 5 : i32
        %add3A_118 = arith.addi %mul3A_116, %add3A_117 : i32
        %add3A_119 = vector.broadcast %add3A_118 : i32 to vector<16xi32>
        %add3A_120 = arith.addi %mul3A_114, %add3A_119 : vector<16xi32>
        tpu.vector_store_idx %arg6[%add3A_120], %get3A_111 : memref<8192xf32, #tpu.memory_space<vmem>>[vector<16xi32>], vector<16xf32>,
        %get3A_121 = arith.constant 6 : i32
        %get3A_122 = arith.index_cast %get3A_121 : i32 to index
        %get3A_123 = arith.index_cast %mul3A_43 : i32 to index
        %get3A_124 = tpu.vector_load %arg4[%get3A_122, %get3A_123] {strides = array<i32>} : memref<16x512xf32, #tpu.memory_space<vmem>>, vector<16xf32>,
        %mul3A_125 = arith.constant 16 : i32
        %mul3A_126 = vector.broadcast %mul3A_125 : i32 to vector<16xi32>
        %mul3A_127 = arith.muli %iota3A, %mul3A_126 : vector<16xi32>
        %mul3A_128 = arith.constant 16 : i32
        %mul3A_129 = arith.muli %mul3A_43, %mul3A_128 : i32
        %add3A_130 = arith.constant 6 : i32
        %add3A_131 = arith.addi %mul3A_129, %add3A_130 : i32
        %add3A_132 = vector.broadcast %add3A_131 : i32 to vector<16xi32>
        %add3A_133 = arith.addi %mul3A_127, %add3A_132 : vector<16xi32>
        tpu.vector_store_idx %arg6[%add3A_133], %get3A_124 : memref<8192xf32, #tpu.memory_space<vmem>>[vector<16xi32>], vector<16xf32>,
        %get3A_134 = arith.constant 7 : i32
        %get3A_135 = arith.index_cast %get3A_134 : i32 to index
        %get3A_136 = arith.index_cast %mul3A_43 : i32 to index
        %get3A_137 = tpu.vector_load %arg4[%get3A_135, %get3A_136] {strides = array<i32>} : memref<16x512xf32, #tpu.memory_space<vmem>>, vector<16xf32>,
        %mul3A_138 = arith.constant 16 : i32
        %mul3A_139 = vector.broadcast %mul3A_138 : i32 to vector<16xi32>
        %mul3A_140 = arith.muli %iota3A, %mul3A_139 : vector<16xi32>
        %mul3A_141 = arith.constant 16 : i32
        %mul3A_142 = arith.muli %mul3A_43, %mul3A_141 : i32
        %add3A_143 = arith.constant 7 : i32
        %add3A_144 = arith.addi %mul3A_142, %add3A_143 : i32
        %add3A_145 = vector.broadcast %add3A_144 : i32 to vector<16xi32>
        %add3A_146 = arith.addi %mul3A_140, %add3A_145 : vector<16xi32>
        tpu.vector_store_idx %arg6[%add3A_146], %get3A_137 : memref<8192xf32, #tpu.memory_space<vmem>>[vector<16xi32>], vector<16xf32>,
        %get3A_147 = arith.constant 8 : i32
        %get3A_148 = arith.index_cast %get3A_147 : i32 to index
        %get3A_149 = arith.index_cast %mul3A_43 : i32 to index
        %get3A_150 = tpu.vector_load %arg4[%get3A_148, %get3A_149] {strides = array<i32>} : memref<16x512xf32, #tpu.memory_space<vmem>>, vector<16xf32>,
        %mul3A_151 = arith.constant 16 : i32
        %mul3A_152 = vector.broadcast %mul3A_151 : i32 to vector<16xi32>
        %mul3A_153 = arith.muli %iota3A, %mul3A_152 : vector<16xi32>
        %mul3A_154 = arith.constant 16 : i32
        %mul3A_155 = arith.muli %mul3A_43, %mul3A_154 : i32
        %add3A_156 = arith.constant 8 : i32
        %add3A_157 = arith.addi %mul3A_155, %add3A_156 : i32
        %add3A_158 = vector.broadcast %add3A_157 : i32 to vector<16xi32>
        %add3A_159 = arith.addi %mul3A_153, %add3A_158 : vector<16xi32>
        tpu.vector_store_idx %arg6[%add3A_159], %get3A_150 : memref<8192xf32, #tpu.memory_space<vmem>>[vector<16xi32>], vector<16xf32>,
        %get3A_160 = arith.constant 9 : i32
        %get3A_161 = arith.index_cast %get3A_160 : i32 to index
        %get3A_162 = arith.index_cast %mul3A_43 : i32 to index
        %get3A_163 = tpu.vector_load %arg4[%get3A_161, %get3A_162] {strides = array<i32>} : memref<16x512xf32, #tpu.memory_space<vmem>>, vector<16xf32>,
        %mul3A_164 = arith.constant 16 : i32
        %mul3A_165 = vector.broadcast %mul3A_164 : i32 to vector<16xi32>
        %mul3A_166 = arith.muli %iota3A, %mul3A_165 : vector<16xi32>
        %mul3A_167 = arith.constant 16 : i32
        %mul3A_168 = arith.muli %mul3A_43, %mul3A_167 : i32
        %add3A_169 = arith.constant 9 : i32
        %add3A_170 = arith.addi %mul3A_168, %add3A_169 : i32
        %add3A_171 = vector.broadcast %add3A_170 : i32 to vector<16xi32>
        %add3A_172 = arith.addi %mul3A_166, %add3A_171 : vector<16xi32>
        tpu.vector_store_idx %arg6[%add3A_172], %get3A_163 : memref<8192xf32, #tpu.memory_space<vmem>>[vector<16xi32>], vector<16xf32>,
        %get3A_173 = arith.constant 10 : i32
        %get3A_174 = arith.index_cast %get3A_173 : i32 to index
        %get3A_175 = arith.index_cast %mul3A_43 : i32 to index
        %get3A_176 = tpu.vector_load %arg4[%get3A_174, %get3A_175] {strides = array<i32>} : memref<16x512xf32, #tpu.memory_space<vmem>>, vector<16xf32>,
        %mul3A_177 = arith.constant 16 : i32
        %mul3A_178 = vector.broadcast %mul3A_177 : i32 to vector<16xi32>
        %mul3A_179 = arith.muli %iota3A, %mul3A_178 : vector<16xi32>
        %mul3A_180 = arith.constant 16 : i32
        %mul3A_181 = arith.muli %mul3A_43, %mul3A_180 : i32
        %add3A_182 = arith.constant 10 : i32
        %add3A_183 = arith.addi %mul3A_181, %add3A_182 : i32
        %add3A_184 = vector.broadcast %add3A_183 : i32 to vector<16xi32>
        %add3A_185 = arith.addi %mul3A_179, %add3A_184 : vector<16xi32>
        tpu.vector_store_idx %arg6[%add3A_185], %get3A_176 : memref<8192xf32, #tpu.memory_space<vmem>>[vector<16xi32>], vector<16xf32>,
        %get3A_186 = arith.constant 11 : i32
        %get3A_187 = arith.index_cast %get3A_186 : i32 to index
        %get3A_188 = arith.index_cast %mul3A_43 : i32 to index
        %get3A_189 = tpu.vector_load %arg4[%get3A_187, %get3A_188] {strides = array<i32>} : memref<16x512xf32, #tpu.memory_space<vmem>>, vector<16xf32>,
        %mul3A_190 = arith.constant 16 : i32
        %mul3A_191 = vector.broadcast %mul3A_190 : i32 to vector<16xi32>
        %mul3A_192 = arith.muli %iota3A, %mul3A_191 : vector<16xi32>
        %mul3A_193 = arith.constant 16 : i32
        %mul3A_194 = arith.muli %mul3A_43, %mul3A_193 : i32
        %add3A_195 = arith.constant 11 : i32
        %add3A_196 = arith.addi %mul3A_194, %add3A_195 : i32
        %add3A_197 = vector.broadcast %add3A_196 : i32 to vector<16xi32>
        %add3A_198 = arith.addi %mul3A_192, %add3A_197 : vector<16xi32>
        tpu.vector_store_idx %arg6[%add3A_198], %get3A_189 : memref<8192xf32, #tpu.memory_space<vmem>>[vector<16xi32>], vector<16xf32>,
        %get3A_199 = arith.constant 12 : i32
        %get3A_200 = arith.index_cast %get3A_199 : i32 to index
        %get3A_201 = arith.index_cast %mul3A_43 : i32 to index
        %get3A_202 = tpu.vector_load %arg4[%get3A_200, %get3A_201] {strides = array<i32>} : memref<16x512xf32, #tpu.memory_space<vmem>>, vector<16xf32>,
        %mul3A_203 = arith.constant 16 : i32
        %mul3A_204 = vector.broadcast %mul3A_203 : i32 to vector<16xi32>
        %mul3A_205 = arith.muli %iota3A, %mul3A_204 : vector<16xi32>
        %mul3A_206 = arith.constant 16 : i32
        %mul3A_207 = arith.muli %mul3A_43, %mul3A_206 : i32
        %add3A_208 = arith.constant 12 : i32
        %add3A_209 = arith.addi %mul3A_207, %add3A_208 : i32
        %add3A_210 = vector.broadcast %add3A_209 : i32 to vector<16xi32>
        %add3A_211 = arith.addi %mul3A_205, %add3A_210 : vector<16xi32>
        tpu.vector_store_idx %arg6[%add3A_211], %get3A_202 : memref<8192xf32, #tpu.memory_space<vmem>>[vector<16xi32>], vector<16xf32>,
        %get3A_212 = arith.constant 13 : i32
        %get3A_213 = arith.index_cast %get3A_212 : i32 to index
        %get3A_214 = arith.index_cast %mul3A_43 : i32 to index
        %get3A_215 = tpu.vector_load %arg4[%get3A_213, %get3A_214] {strides = array<i32>} : memref<16x512xf32, #tpu.memory_space<vmem>>, vector<16xf32>,
        %mul3A_216 = arith.constant 16 : i32
        %mul3A_217 = vector.broadcast %mul3A_216 : i32 to vector<16xi32>
        %mul3A_218 = arith.muli %iota3A, %mul3A_217 : vector<16xi32>
        %mul3A_219 = arith.constant 16 : i32
        %mul3A_220 = arith.muli %mul3A_43, %mul3A_219 : i32
        %add3A_221 = arith.constant 13 : i32
        %add3A_222 = arith.addi %mul3A_220, %add3A_221 : i32
        %add3A_223 = vector.broadcast %add3A_222 : i32 to vector<16xi32>
        %add3A_224 = arith.addi %mul3A_218, %add3A_223 : vector<16xi32>
        tpu.vector_store_idx %arg6[%add3A_224], %get3A_215 : memref<8192xf32, #tpu.memory_space<vmem>>[vector<16xi32>], vector<16xf32>,
        %get3A_225 = arith.constant 14 : i32
        %get3A_226 = arith.index_cast %get3A_225 : i32 to index
        %get3A_227 = arith.index_cast %mul3A_43 : i32 to index
        %get3A_228 = tpu.vector_load %arg4[%get3A_226, %get3A_227] {strides = array<i32>} : memref<16x512xf32, #tpu.memory_space<vmem>>, vector<16xf32>,
        %mul3A_229 = arith.constant 16 : i32
        %mul3A_230 = vector.broadcast %mul3A_229 : i32 to vector<16xi32>
        %mul3A_231 = arith.muli %iota3A, %mul3A_230 : vector<16xi32>
        %mul3A_232 = arith.constant 16 : i32
        %mul3A_233 = arith.muli %mul3A_43, %mul3A_232 : i32
        %add3A_234 = arith.constant 14 : i32
        %add3A_235 = arith.addi %mul3A_233, %add3A_234 : i32
        %add3A_236 = vector.broadcast %add3A_235 : i32 to vector<16xi32>
        %add3A_237 = arith.addi %mul3A_231, %add3A_236 : vector<16xi32>
        tpu.vector_store_idx %arg6[%add3A_237], %get3A_228 : memref<8192xf32, #tpu.memory_space<vmem>>[vector<16xi32>], vector<16xf32>,
        %get3A_238 = arith.constant 15 : i32
        %get3A_239 = arith.index_cast %get3A_238 : i32 to index
        %get3A_240 = arith.index_cast %mul3A_43 : i32 to index
        %get3A_241 = tpu.vector_load %arg4[%get3A_239, %get3A_240] {strides = array<i32>} : memref<16x512xf32, #tpu.memory_space<vmem>>, vector<16xf32>,
        %mul3A_242 = arith.constant 16 : i32
        %mul3A_243 = vector.broadcast %mul3A_242 : i32 to vector<16xi32>
        %mul3A_244 = arith.muli %iota3A, %mul3A_243 : vector<16xi32>
        %mul3A_245 = arith.constant 16 : i32
        %mul3A_246 = arith.muli %mul3A_43, %mul3A_245 : i32
        %add3A_247 = arith.constant 15 : i32
        %add3A_248 = arith.addi %mul3A_246, %add3A_247 : i32
        %add3A_249 = vector.broadcast %add3A_248 : i32 to vector<16xi32>
        %add3A_250 = arith.addi %mul3A_244, %add3A_249 : vector<16xi32>
        tpu.vector_store_idx %arg6[%add3A_250], %get3A_241 : memref<8192xf32, #tpu.memory_space<vmem>>[vector<16xi32>], vector<16xf32>,
      }
      %scan3A_40 = arith.constant 32 : i32
      "tpu.region"() ({
        %run_scoped3A = tpu.sem_alloc : memref<!tpu.dma_semaphore, #tpu.memory_space<semaphore_mem>>
        %dma_start3A_41 = arith.constant 15990784 : i32
        %dma_start3A_42 = tpu.memref_slice %arg3[%dma_start3A_41] : memref<16000000xf32, #tpu.memory_space<hbm>> -> memref<8192xf32, #tpu.memory_space<hbm>>
        %dma_start3A_43 = arith.constant 15990784 : i32
        %dma_start3A_44 = tpu.memref_slice %arg3[%dma_start3A_43] : memref<16000000xf32, #tpu.memory_space<hbm>> -> memref<8192xf32, #tpu.memory_space<hbm>>
        tpu.enqueue_dma source(%arg6 : memref<8192xf32, #tpu.memory_space<vmem>>) target(%dma_start3A_44 : memref<8192xf32, #tpu.memory_space<hbm>>) target_semaphore(%run_scoped3A : memref<!tpu.dma_semaphore, #tpu.memory_space<semaphore_mem>>)
        %dma_wait3A_45 = arith.constant 15990784 : i32
        %dma_wait3A_46 = tpu.memref_slice %arg3[%dma_wait3A_45] : memref<16000000xf32, #tpu.memory_space<hbm>> -> memref<8192xf32, #tpu.memory_space<hbm>>
        %dma_wait3A_47 = arith.constant 15990784 : i32
        %dma_wait3A_48 = tpu.memref_slice %arg3[%dma_wait3A_47] : memref<16000000xf32, #tpu.memory_space<hbm>> -> memref<8192xf32, #tpu.memory_space<hbm>>
        tpu.wait_dma2 semaphore(%run_scoped3A : memref<!tpu.dma_semaphore, #tpu.memory_space<semaphore_mem>>) src(%arg6 : memref<8192xf32, #tpu.memory_space<vmem>>) dst(%dma_wait3A_48 : memref<8192xf32, #tpu.memory_space<hbm>>)
        tpu.yield
      }) : () -> ()
    } else {
    }
    return
  }
}

</mosaic_0001>

<sc_bundles>
// kernel: _sc_linearize.3.cloned.1.call-start
scs
__scs_entry_jumppad:
0x0: {  	(pc) =	sbr.rel $0x88, $3  }
0x1: {  	(tag) =	ssettag $0x0;
	lr =	simm.s32 $0x1  }
0x2: {  	[smem:$0x3FA0] =	sst lr;
	_ =	strace $0xD0000000  }
0x3: {  	_ = 	snop  }
0x4: {  	_ = 	snop  }
0x5: {  	_ = 	snop  }
0x6: {  	_ = 	snop  }
0x7: {  	_ = 	snop  }
__scs_overlays_trampoline_lowered:
0x8: {  	[smem:$0x3FAF] =	sst s0  }
0x9: {  	[smem:$0x3FB0] =	sst s1  }
0xa: {  	[smem:$0x3FB1] =	sst s2  }
0xb: {  	[smem:$0x3FB2] =	sst s3  }
0xc: {  	[smem:$0x3FB3] =	sst s4  }
0xd: {  	[smem:$0x3FB4] =	sst s5  }
0xe: {  	[smem:$0x3FB5] =	sst s6  }
0xf: {  	[smem:$0x3FB6] =	sst s7  }
0x10: {  	[smem:$0x3FB7] =	sst s8  }
0x11: {  	[smem:$0x3FB8] =	sst s9;
	s0 =	simm.s32 @!p0 $0x0  }
0x12: {  	s1 =	sld [smem:$0x3F9E];
	s0 =	simm.s32 @p0 $0x1  }
0x13: {  	[smem:$0x3FB9] =	sst s0;
	s0 =	simm.s32 @!p1 $0x0  }
0x14: {  	s2 =	sld [smem:$0x3F9D];
	s0 =	simm.s32 @p1 $0x1  }
0x15: {  	[smem:$0x3FBA] =	sst s0;
	s0 =	simm.s32 @!p2 $0x0  }
0x16: {  	s3 =	sld [smem:$0x3FDB];
	s0 =	simm.s32 @p2 $0x1  }
0x17: {  	s4 =	simm.s32 $0x1BF5;
	[smem:$0x3FBC] =	sst s0  }
0x18: {  	s0 =	sld [smem:$0x3F9F];
	_ =	swait.ge [sflag:s4], $0x0  }
0x19: {  	s7 =	sld [smem:$0x3FA0]  }
0x1a: {  	s8 =	sadd.s32 $0xFFFFE003, lr  }
0x1b: {  	s9 =	sadd.s32 $0xFFFFFEF7, lr;
	s5 =	simm.s32 $0xFFFFFFFF;
	p2 =	slt.u32 s8, $0xFFFFF086  }
0x1c: {  	p1 =	slt.u32 s9, $0xF7A;
	s5 =	simm.s32 @!p2 $0x0  }
0x1d: {  	s5 =	simm.s32 @p1 $0x1;
	p0 =	seq.s32 s7, s2  }
0x1e: {  	s7 =	smul.u32 @!p0 $0xF7A, s2;
	p2 =	seq.s32 @!p0 s5, $0x0  }
0x1f: {  	s9 =	smul.u32 $0xF7A, s1;
	s8 =	simm.s32 @!p0 $0x1BF5;
	p2 =	por !p2, p0  }
0x20: {  	[sflag:s8] =	ssyncset.s32 @!p0 $0xFFFFF086;
	s6 =	sadd.s32 @!p0 s3, s7;
	s7 =	simm.s32 @!p0 $0x108  }
0x21: {  	s3 =	sadd.s32 s3, s9;
	s6 =	sadd.s32 @!p0 $0x88, s6;
	s7 =	simm.s32 @p2 $0x1082  }
0x22: {  	[simem:s7], [sflag:s8] =	dma.local @!p0 [hbm:s6], $0xF7A  }
0x23: {  	s9 =	sor.u32 $0xD0000000, s2;
	s6 =	simm.s32 $0x108;
	_ =	swait.ge @!p0 [sflag:s8], $0x0  }
0x24: {  	s3 =	sadd.s32 $0x88, s3;
	s6 =	simm.s32 @!p1 $0x1082;
	[sflag:s4] =	ssyncset.s32 $0xFFFFF086  }
0x25: {  	[simem:s6], [sflag:s4] =	dma.local [hbm:s3], $0xF7A  }
0x26: {  	[smem:$0x3FA0] =	sst s1;
	(tag) =	ssettag s2;
	_ =	strace s9  }
0x27: {  	s1 =	sld [smem:$0x3FB0]  }
0x28: {  	s2 =	sld [smem:$0x3FB1]  }
0x29: {  	s4 =	sld [smem:$0x3FB3]  }
0x2a: {  	p0 =	seq.s32 s5, $0x0;
	s5 =	sld [smem:$0x3FB4]  }
0x2b: {  	s6 =	sld [smem:$0x3FB5]  }
0x2c: {  	s7 =	sld [smem:$0x3FB6]  }
0x2d: {  	s3 =	simm.s32 $0x108;
	s8 =	sld [smem:$0x3FB7]  }
0x2e: {  	s3 =	simm.s32 @!p0 $0x1082;
	s9 =	sld [smem:$0x3FB8]  }
0x2f: {  	lr =	sadd.s32 s0, s3;
	s0 =	sld [smem:$0x3FAF]  }
0x30: {  	s3 =	sld [smem:$0x3FB2]  }
0x31: {  	[smem:$0x3FBB] =	sst s10  }
0x32: {  	s10 =	sld [smem:$0x3FB9];
	_ =	sdelay $0x3  }
0x33: {  	p0 =	seq.s32 s10, $0x1;
	s10 =	sld [smem:$0x3FBB];
	_ =	sdelay $0x3  }
0x34: {  	[smem:$0x3FBB] =	sst s10  }
0x35: {  	s10 =	sld [smem:$0x3FBA];
	_ =	sdelay $0x3  }
0x36: {  	p1 =	seq.s32 s10, $0x1;
	s10 =	sld [smem:$0x3FBB];
	_ =	sdelay $0x3  }
0x37: {  	[smem:$0x3FBB] =	sst s10  }
0x38: {  	s10 =	sld [smem:$0x3FBC]  }
0x39: {  	_ = 	snop;
	(pc) =	sbr.ind lr, $3  }
0x3a: {  	_ = 	snop  }
0x3b: {  	_ = 	snop  }
0x3c: {  	p2 =	seq.s32 s10, $0x1;
	s10 =	sld [smem:$0x3FBB]  }
0x3d: {  	_ =	shalt  }
0x3e: {  	_ =	shalt  }
0x3f: {  	_ =	shalt  }
0x40: {  	_ =	shalt  }
0x41: {  	_ =	shalt  }
0x42: {  	_ =	shalt  }
0x43: {  	_ =	shalt  }
0x44: {  	_ =	shalt  }
0x45: {  	_ =	shalt  }
0x46: {  	_ =	shalt  }
0x47: {  	_ =	shalt  }
0x48: {  	_ =	shalt  }
0x49: {  	_ =	shalt  }
0x4a: {  	_ =	shalt  }
0x4b: {  	_ =	shalt  }
0x4c: {  	_ =	shalt  }
0x4d: {  	_ =	shalt  }
0x4e: {  	_ =	shalt  }
0x4f: {  	_ =	shalt  }
0x50: {  	_ =	shalt  }
0x51: {  	_ =	shalt  }
0x52: {  	_ =	shalt  }
0x53: {  	_ =	shalt  }
0x54: {  	_ =	shalt  }
0x55: {  	_ =	shalt  }
0x56: {  	_ =	shalt  }
0x57: {  	_ =	shalt  }
0x58: {  	_ =	shalt  }
0x59: {  	_ =	shalt  }
0x5a: {  	_ =	shalt  }
0x5b: {  	_ =	shalt  }
0x5c: {  	_ =	shalt  }
0x5d: {  	_ =	shalt  }
0x5e: {  	_ =	shalt  }
0x5f: {  	_ =	shalt  }
0x60: {  	_ =	shalt  }
0x61: {  	_ =	shalt  }
0x62: {  	_ =	shalt  }
0x63: {  	_ =	shalt  }
0x64: {  	_ =	shalt  }
0x65: {  	_ =	shalt  }
0x66: {  	_ =	shalt  }
0x67: {  	_ =	shalt  }
0x68: {  	_ =	shalt  }
0x69: {  	_ =	shalt  }
0x6a: {  	_ =	shalt  }
0x6b: {  	_ =	shalt  }
0x6c: {  	_ =	shalt  }
0x6d: {  	_ =	shalt  }
0x6e: {  	_ =	shalt  }
0x6f: {  	_ =	shalt  }
0x70: {  	_ =	shalt  }
0x71: {  	_ =	shalt  }
0x72: {  	_ =	shalt  }
0x73: {  	_ =	shalt  }
0x74: {  	_ =	shalt  }
0x75: {  	_ =	shalt  }
0x76: {  	_ =	shalt  }
0x77: {  	_ =	shalt  }
0x78: {  	_ =	shalt  }
0x79: {  	_ =	shalt  }
0x7a: {  	_ =	shalt  }
0x7b: {  	_ =	shalt  }
0x7c: {  	_ =	shalt  }
0x7d: {  	_ =	shalt  }
0x7e: {  	_ =	shalt  }
0x7f: {  	_ =	shalt  }
0x80: {  	_ =	shalt  }
0x81: {  	_ =	shalt  }
0x82: {  	_ =	shalt  }
0x83: {  	_ =	shalt  }
0x84: {  	_ =	shalt  }
0x85: {  	_ =	shalt  }
0x86: {  	_ =	shalt  }
0x87: {  	_ =	shalt  }
.Lfunc_end0:
.L_simem_size_0:
called_computation_lowered:
.L_overlay_start_0:
0x88: {  	s2 =	sld [smem:$0x3FD9]  }
0x89: {  	s3 =	sld [smem:$0x3FFE];
	_ =	sdelay $0x1  }
0x8a: {  	s1 =	srdreg.scid  }
0x8b: {  	s0 =	sand.u32 $0x1, s1  }
0x8c: {  	s18 =	sshll.u32 s0, $0xA;
	s2 =	sadd.s32 s3, s2  }
0x8d: {  	s2 =	sadd.s32 s2, s18  }
0x8e: {  	[smem:$0x3FC7] =	sst s2  }
0x8f: {  	_ = 	snop  }
0x90: {  	s2 =	sld [smem:$0x3FC9]  }
0x91: {  	s19 =	sld [smem:$0x3FD0];
	(tm) =	ssettm $0x1  }
0x92: {  	s4 =	sld [smem:$0x3FFB];
	_ =	sdelay $0x3  }
0x93: {  	_ =	strace s4  }
0x94: {  	s4 =	sld [smem:$0x3FFC];
	_ =	sdelay $0x3  }
0x95: {  	_ =	strace s4  }
0x96: {  	s4 =	sld [smem:$0x3FFD];
	_ =	sdelay $0x3  }
0x97: {  	_ =	strace s4  }
0x98: {  	_ =	strace $0x8FFFFFFF  }
0x99: {  	s20 =	sld [smem:$0x3FDB];
	_ =	sdelay $0x1  }
0x9a: {  	s5 =	simm.s32 $_scs_section_size  }
0x9b: {  	s6 =	simm.s32 $_size__tile_overlayer_lowered;
	s7 =	simm.s32 $_tile_overlayer_lowered  }
0x9c: {  	s23 =	simm.s32 $0x1BFF;
	s22 =	sshll.u32 s7, $0x1;
	s4 =	sadd.s32 s5, s20  }
0x9d: {  	s8 =	simm.s32 $0x0;
	s21 =	sshll.u32 s6, $0x1;
	s6 =	sadd.s32 s22, s4  }
0x9e: {  	[timem:s8], [sflag:s23] =	dma.local [hbm:s6], s21  }
0x9f: {  	_ =	swait.ge [sflag:s23], s21  }
0xa0: {  	s5 =	ssub.s32 $0x0, s21;
	[sflag:s23] =	ssyncset.done $0x0  }
0xa1: {  	[sflag:s23] =	ssyncadd.s32 s5;
	_ =	sdelay $0x1  }
0xa2: {  	s24 =	simm.s32 $0x1B8B  }
0xa3: {  	_ =	swait.ge [sflag:s24], $0x1  }
0xa4: {  	[sflag:s24] =	ssyncset.done $0x0  }
0xa5: {  	s25 =	simm.s32 $0x1B8E;
	[sflag:s24] =	ssyncadd.s32 $0xFFFFFFFF  }
0xa6: {  	s26 =	simm.s32 $execute0_lowered;
	[smem:$0x3FD2] =	sst s25  }
0xa7: {  	s5 =	sshll.u32 s26, $0x1;
	_ =	strace $0x80000046;
	[dreg:$0x1] =	wrdreg $0xFFFFFFFF  }
0xa8: {  	s28 =	simm.s32 $_size_execute0_lowered;
	s4 =	sadd.s32 s4, s5;
	[dreg:$0x0] =	wrdreg $0x0  }
0xa9: {  	s5 =	sshll.u32 s28, $0x1;
	[dreg:$0x2] =	wrdreg s4  }
0xaa: {  	[dreg:$0x3] =	wrdreg s5  }
0xab: {  	[dreg:$0x4] =	wrdreg $0xC0  }
0xac: {  	_ =	task [dreg:s8], $0x5FFFF  }
0xad: {  	[dreg:$0x1] =	wrdreg $0xFFFFFFFF  }
0xae: {  	[dreg:$0x0] =	wrdreg $0x60  }
0xaf: {  	[dreg:$0x2] =	wrdreg s2  }
0xb0: {  	[dreg:$0x3] =	wrdreg s19  }
0xb1: {  	[dreg:$0x4] =	wrdreg $0x9  }
0xb2: {  	_ =	task.clear_ibuf [dreg:s8], $0x5FFFF;
	_ =	strace $0x90000046  }
0xb3: {  	s29 =	simm.s32 $0x9;
	_ =	strace $0x80000048  }
0xb4: {  	_ =	swait.ge [sflag:s29], $0x1  }
0xb5: {  	[sflag:s29] =	ssyncadd.s32 $0xFFFFFFFF  }
0xb6: {  	_ =	strace $0x90000048  }
0xb7: {  	_ =	sfence  }
0xb8: {  	s30 =	sld [smem:$0x0];
	_ =	sdelay $0x2  }
0xb9: {  	s31 =	sshll.u32 s1, $0xD;
	s1 =	sshrl.u32 s1, $0x2  }
0xba: {  	s3 =	sand.u32 $0x4000, s31;
	s1 =	sadd.s32 s1, s30  }
0xbb: {  	s0 =	sor.u32 s3, s0;
	s1 =	sshll.u32 s1, $0x11  }
0xbc: {  	s0 =	sor.u32 s1, s0  }
0xbd: {  	s0 =	sadd.s32 $0x8F2B, s0  }
0xbe: {  	[sflag:s0] =	ssyncadd.remote.s32 $0x1  }
0xbf: {  	_ =	sfence.sel $0xFFFF  }
0xc0: {  	[dreg:$0x0] =	wrdreg $0xFFFFFFFF;
	(pc) =	sbr.abs _section_cstart, $3  }
0xc1: {  	[dreg:$0x1] =	wrdreg $0xFFFFFFFF  }
0xc2: {  	_ =	task.clear_ibuf [dreg:s8], $0x2FFFF;
	_ =	strace $0x9FFFFFFF  }
0xc3: {  	(tm) =	ssettm $0x7FFFFFFF  }
tec
execute0_lowered:
.L_overlay_start_1:
0x0: {  	(tag) =	ssettag $0x1  }
0x1: {  	s0 =	srdreg.scid;
	s2 =	rddreg [dreg:$0x0]  }
0x2: {  	s1 =	stileid.u32;
	s3 =	rddreg [dreg:$0x1]  }
0x3: {  	s4 =	simm.s32 $0x0;
	s13 =	simm.s32 $0x1000;
	s14 =	simm.s32 $0x7A1400  }
0x4: {  	s16 =	simm.s32 $0x1;
	s17 =	simm.s32 $0x4000;
	s18 =	simm.s32 $0x4  }
0x5: {  	s19 =	simm.s32 $0x3;
	s20 =	simm.s32 $0x5;
	s21 =	simm.s32 $0x2  }
0x6: {  	s22 =	simm.s32 $0x6000;
	s0 =	sand.u32 $0x1, s0;
	s1 =	sshll.u32 s1, $0x1  }
0x7: {  	s23 =	simm.s32 $0x0;
	[smem:$0x7FF] =	sst s4;
	s1 =	sor.u32 s0, s1  }
0x8: {  	s10 =	sadd.s32 $0xF4000, s2;
	s11 =	sadd.s32 $0x1E8000, s3;
	s9 =	smul.u32 $0x3D000, s1  }
.Ltmp0:
0x9: {  	s0 =	ssub.s32 $0x2, s0;
	_ =	strace $0x80000047;
	(pc) =	sbr.rel .LBB2_1-.Ltmp0, $4  }
0xa: {  	s5 =	smul.u32 $0x7A00, s1;
	s7 =	sshrl.u32 s0, $0x1;
	p0 =	sne.s32 s1, $0x1F  }
0xb: {  	s0 =	ssub.s32 s0, s7;
	s7 =	smul.u32 $0x7A000, s1;
	s6 =	sshrl.u32 s9, $0x3  }
0xc: {  	v0 =	vlaneseq.u32;
	s5 =	sadd.s32 s2, s5;
	s8 =	sadd.s32 $0x2000, s9;
	s6 =	sadd.s32 s2, s6  }
0xd: {  	v0 =	vmul.u32 $0x10, v0;
	s9 =	sadd.s32 $0x3000, s9;
	s12 =	smax.u32 s0, $0x1;
	s6 =	sadd.s32 $0x200, s6  }
.LBB2_14:
0xe: {  	s23 =	sadd.s32 $0x1, s23  }
0xf: {  	p1 =	sne.s32 s23, s12  }
.Ltmp1:
0x10: {  	_ = 	snop;
	(pc) =	sbr.rel @!p1 .LBB2_15-.Ltmp1, $1  }
0x11: {  	_ =	sdelay $0x3  }
.LBB2_1:
.Ltmp2:
0x12: {  	(pc) =	sbr.rel .LBB2_2-.Ltmp2, $4  }
0x13: {  	_ = 	snop  }
0x14: {  	[tilespmem:s4], [sflag:$0x1] =	stream.strided.gather [hbm4b:s5+s13], $0x2000, s14, s13, $0x38;
	[tilespmem:$0x8000] =	vst v63  }
0x15: {  	s0 =	simm.s32 $0x2000;
	s24 =	simm.s32 $0x0  }
0x16: {  	[tilespmem:s0], [sflag:$0x2] =	stream.strided.gather [hbm4b:s6+s13], $0x2000, s14, s13, $0x38;
	[tilespmem:$0x8000] =	vst v63  }
.LBB2_9:
0x17: {  	s24 =	sadd.s32 $0x1, s24  }
0x18: {  	p1 =	sne.s32 s24, $0x1F  }
.Ltmp3:
0x19: {  	_ = 	snop;
	(pc) =	sbr.rel @!p1 .LBB2_10-.Ltmp3, $1  }
0x1a: {  	_ =	sdelay $0x3  }
.LBB2_2:
0x1b: {  	_ =	swait.ge [sflag:s16], $0x2000  }
0x1c: {  	p1 =	seq.s32 s24, $0x0;
	[sflag:s16] =	ssyncset.done $0x0  }
0x1d: {  	s0 =	simm.s32 @!p1 $0x3;
	[sflag:s16] =	ssyncadd.s32 $0xFFFFE000  }
0x1e: {  	s25 =	simm.s32 $0x0;
	_ =	swait.ge @!p1 [sflag:s0], $0x2000  }
0x1f: {  	s1 =	sand.u32 $0x70, s25;
	s26 =	sand.u32 $0xC00, s25;
	[sflag:s0] =	ssyncset.done @!p1 $0x0  }
0x20: {  	s15 =	simm.s32 $0x0;
	s1 =	sor.u32 s1, s26;
	[sflag:s0] =	ssyncadd.s32 @!p1 $0xFFFFE000  }
0x21: {  	v2 =	vor.u32 s15, v0;
	v1 =	vld [tilespmem:s1+$0x0];
	_ =	sdelay $0x4  }
0x22: {  	s26 =	simm.s32 $0x1;
	[tilespmem:v2+s17+$0x0] =	vst.idx.msk $0xffff, v1  }
0x23: {  	v2 =	vor.u32 s26, v0;
	v1 =	vld [tilespmem:s1+$0x80];
	_ =	sdelay $0x4  }
0x24: {  	s15 =	simm.s32 $0x2;
	[tilespmem:v2+s17+$0x0] =	vst.idx.msk $0xffff, v1  }
0x25: {  	v2 =	vor.u32 s15, v0;
	v1 =	vld [tilespmem:s1+$0x100];
	_ =	sdelay $0x4  }
0x26: {  	s26 =	simm.s32 $0x3;
	[tilespmem:v2+s17+$0x0] =	vst.idx.msk $0xffff, v1  }
0x27: {  	v2 =	vor.u32 s26, v0;
	v1 =	vld [tilespmem:s1+$0x180];
	_ =	sdelay $0x4  }
0x28: {  	s15 =	simm.s32 $0x4;
	[tilespmem:v2+s17+$0x0] =	vst.idx.msk $0xffff, v1  }
0x29: {  	v2 =	vor.u32 s15, v0;
	v1 =	vld [tilespmem:s1+$0x200];
	_ =	sdelay $0x4  }
0x2a: {  	s26 =	simm.s32 $0x5;
	[tilespmem:v2+s17+$0x0] =	vst.idx.msk $0xffff, v1  }
0x2b: {  	v2 =	vor.u32 s26, v0;
	v1 =	vld [tilespmem:s1+$0x280];
	_ =	sdelay $0x4  }
0x2c: {  	s15 =	simm.s32 $0x6;
	[tilespmem:v2+s17+$0x0] =	vst.idx.msk $0xffff, v1  }
0x2d: {  	v2 =	vor.u32 s15, v0;
	v1 =	vld [tilespmem:s1+$0x300];
	_ =	sdelay $0x3  }
0x2e: {  	s26 =	sor.u32 s25, s25  }
0x2f: {  	s0 =	sor.u32 $0x380, s26;
	s15 =	simm.s32 $0x7;
	[tilespmem:v2+s17+$0x0] =	vst.idx.msk $0xffff, v1  }
0x30: {  	v2 =	vor.u32 s15, v0;
	v1 =	vld [tilespmem:s0+$0x0];
	_ =	sdelay $0x4  }
0x31: {  	s26 =	simm.s32 $0x8;
	[tilespmem:v2+s17+$0x0] =	vst.idx.msk $0xffff, v1  }
0x32: {  	v2 =	vor.u32 s26, v0;
	v1 =	vld [tilespmem:s1+$0x1000];
	_ =	sdelay $0x4  }
0x33: {  	s15 =	simm.s32 $0x9;
	[tilespmem:v2+s17+$0x0] =	vst.idx.msk $0xffff, v1  }
0x34: {  	v2 =	vor.u32 s15, v0;
	v1 =	vld [tilespmem:s1+$0x1080];
	_ =	sdelay $0x4  }
0x35: {  	s25 =	simm.s32 $0xA;
	[tilespmem:v2+s17+$0x0] =	vst.idx.msk $0xffff, v1  }
0x36: {  	v2 =	vor.u32 s25, v0;
	v1 =	vld [tilespmem:s1+$0x1100];
	_ =	sdelay $0x4  }
0x37: {  	s26 =	simm.s32 $0xB;
	[tilespmem:v2+s17+$0x0] =	vst.idx.msk $0xffff, v1  }
0x38: {  	v2 =	vor.u32 s26, v0;
	v1 =	vld [tilespmem:s1+$0x1180];
	_ =	sdelay $0x4  }
0x39: {  	s15 =	simm.s32 $0xC;
	[tilespmem:v2+s17+$0x0] =	vst.idx.msk $0xffff, v1  }
0x3a: {  	v2 =	vor.u32 s15, v0;
	v1 =	vld [tilespmem:s1+$0x1200];
	_ =	sdelay $0x4  }
0x3b: {  	s25 =	simm.s32 $0xD;
	[tilespmem:v2+s17+$0x0] =	vst.idx.msk $0xffff, v1  }
0x3c: {  	v2 =	vor.u32 s25, v0;
	v1 =	vld [tilespmem:s1+$0x1280];
	_ =	sdelay $0x4  }
0x3d: {  	s26 =	simm.s32 $0xE;
	[tilespmem:v2+s17+$0x0] =	vst.idx.msk $0xffff, v1  }
0x3e: {  	v2 =	vor.u32 s26, v0;
	v1 =	vld [tilespmem:s1+$0x1300];
	_ =	sdelay $0x4  }
0x3f: {  	s15 =	simm.s32 $0xF;
	[tilespmem:v2+s17+$0x0] =	vst.idx.msk $0xffff, v1  }
0x40: {  	v2 =	vor.u32 s15, v0;
	v1 =	vld [tilespmem:s1+$0x1380];
	_ =	sdelay $0x1  }
0x41: {  	s28 =	simm.s32 $0x80  }
0x42: {  	s29 =	simm.s32 $0x10;
	s30 =	simm.s32 $0x20F;
	s31 =	sand.u32 $0xC00, s28  }
0x43: {  	s25 =	simm.s32 $0x10F;
	s26 =	sshll.u32 s24, $0x1;
	s1 =	sand.u32 $0x70, s29  }
.LBB2_3:
0x44: {  	p2 =	sne.s32 s30, $0x1F0F;
	s31 =	sor.u32 s1, s31;
	s0 =	sadd.s32 $0xFFFFFFF1, s25;
	[tilespmem:v2+s17+$0x0] =	vst.idx.msk $0xffff, v1  }
0x45: {  	v1 =	vld [tilespmem:s31+$0x0];
	v2 =	vor.u32 s0, v0;
	_ =	sdelay $0x4  }
0x46: {  	s0 =	sadd.s32 $0xFFFFFFF2, s25;
	[tilespmem:v2+s17+$0x0] =	vst.idx.msk $0xffff, v1  }
0x47: {  	v2 =	vor.u32 s0, v0;
	v1 =	vld [tilespmem:s31+$0x80];
	_ =	sdelay $0x4  }
0x48: {  	s0 =	sadd.s32 $0xFFFFFFF3, s25;
	[tilespmem:v2+s17+$0x0] =	vst.idx.msk $0xffff, v1  }
0x49: {  	v2 =	vor.u32 s0, v0;
	v1 =	vld [tilespmem:s31+$0x100];
	_ =	sdelay $0x4  }
0x4a: {  	s0 =	sadd.s32 $0xFFFFFFF4, s25;
	[tilespmem:v2+s17+$0x0] =	vst.idx.msk $0xffff, v1  }
0x4b: {  	v2 =	vor.u32 s0, v0;
	v1 =	vld [tilespmem:s31+$0x180];
	_ =	sdelay $0x4  }
0x4c: {  	s0 =	sadd.s32 $0xFFFFFFF5, s25;
	[tilespmem:v2+s17+$0x0] =	vst.idx.msk $0xffff, v1  }
0x4d: {  	v2 =	vor.u32 s0, v0;
	v1 =	vld [tilespmem:s31+$0x200];
	_ =	sdelay $0x4  }
0x4e: {  	s0 =	sadd.s32 $0xFFFFFFF6, s25;
	[tilespmem:v2+s17+$0x0] =	vst.idx.msk $0xffff, v1  }
0x4f: {  	v2 =	vor.u32 s0, v0;
	v1 =	vld [tilespmem:s31+$0x280];
	_ =	sdelay $0x4  }
0x50: {  	s0 =	sadd.s32 $0xFFFFFFF7, s25;
	[tilespmem:v2+s17+$0x0] =	vst.idx.msk $0xffff, v1  }
0x51: {  	v2 =	vor.u32 s0, v0;
	v1 =	vld [tilespmem:s31+$0x300];
	_ =	sdelay $0x3  }
0x52: {  	s0 =	sor.u32 s28, s29  }
0x53: {  	s1 =	sadd.s32 $0xFFFFFFF8, s25;
	s0 =	sor.u32 $0x380, s0;
	[tilespmem:v2+s17+$0x0] =	vst.idx.msk $0xffff, v1  }
0x54: {  	v2 =	vor.u32 s1, v0;
	v1 =	vld [tilespmem:s0+$0x0];
	_ =	sdelay $0x4  }
0x55: {  	s0 =	sadd.s32 $0xFFFFFFF9, s25;
	[tilespmem:v2+s17+$0x0] =	vst.idx.msk $0xffff, v1  }
0x56: {  	v2 =	vor.u32 s0, v0;
	v1 =	vld [tilespmem:s31+$0x1000];
	_ =	sdelay $0x4  }
0x57: {  	s0 =	sadd.s32 $0xFFFFFFFA, s25;
	[tilespmem:v2+s17+$0x0] =	vst.idx.msk $0xffff, v1  }
0x58: {  	v2 =	vor.u32 s0, v0;
	v1 =	vld [tilespmem:s31+$0x1080];
	_ =	sdelay $0x4  }
0x59: {  	s0 =	sadd.s32 $0xFFFFFFFB, s25;
	[tilespmem:v2+s17+$0x0] =	vst.idx.msk $0xffff, v1  }
0x5a: {  	v2 =	vor.u32 s0, v0;
	v1 =	vld [tilespmem:s31+$0x1100];
	_ =	sdelay $0x4  }
0x5b: {  	s0 =	sadd.s32 $0xFFFFFFFC, s25;
	[tilespmem:v2+s17+$0x0] =	vst.idx.msk $0xffff, v1  }
0x5c: {  	v2 =	vor.u32 s0, v0;
	v1 =	vld [tilespmem:s31+$0x1180];
	_ =	sdelay $0x4  }
0x5d: {  	s0 =	sadd.s32 $0xFFFFFFFD, s25;
	[tilespmem:v2+s17+$0x0] =	vst.idx.msk $0xffff, v1  }
0x5e: {  	v2 =	vor.u32 s0, v0;
	v1 =	vld [tilespmem:s31+$0x1200];
	_ =	sdelay $0x4  }
0x5f: {  	s0 =	sadd.s32 $0xFFFFFFFE, s25;
	[tilespmem:v2+s17+$0x0] =	vst.idx.msk $0xffff, v1  }
0x60: {  	v2 =	vor.u32 s0, v0;
	v1 =	vld [tilespmem:s31+$0x1280];
	_ =	sdelay $0x4  }
0x61: {  	s0 =	sadd.s32 $0xFFFFFFFF, s25;
	[tilespmem:v2+s17+$0x0] =	vst.idx.msk $0xffff, v1  }
0x62: {  	v2 =	vor.u32 s0, v0;
	v1 =	vld [tilespmem:s31+$0x1300];
	_ =	sdelay $0x4  }
0x63: {  	[tilespmem:v2+s17+$0x0] =	vst.idx.msk $0xffff, v1  }
.Ltmp4:
0x64: {  	v2 =	vor.u32 s25, v0;
	s25 =	smov.u32 s30;
	v1 =	vld [tilespmem:s31+$0x1380];
	(pc) =	sbr.rel @p2 .LBB2_3-.Ltmp4, $3  }
0x65: {  	_ =	sdelay $0x1  }
0x66: {  	s28 =	sadd.s32 $0x80, s28;
	s29 =	sadd.s32 $0x10, s29  }
0x67: {  	s1 =	sand.u32 $0x70, s29;
	s30 =	sadd.s32 $0x100, s30;
	s31 =	sand.u32 $0xC00, s28  }
0x68: {  	_ =	sdelay $0x3  }
0x69: {  	s1 =	sor.u32 s1, s31;
	s0 =	sadd.s32 $0xFFFFFFF1, s25;
	[tilespmem:v2+s17+$0x0] =	vst.idx.msk $0xffff, v1  }
0x6a: {  	v1 =	vld [tilespmem:s1+$0x0];
	v2 =	vor.u32 s0, v0;
	_ =	sdelay $0x4  }
0x6b: {  	s31 =	sadd.s32 $0xFFFFFFF2, s25;
	[tilespmem:v2+s17+$0x0] =	vst.idx.msk $0xffff, v1  }
0x6c: {  	v2 =	vor.u32 s31, v0;
	v1 =	vld [tilespmem:s1+$0x80];
	_ =	sdelay $0x4  }
0x6d: {  	s15 =	sadd.s32 $0xFFFFFFF3, s25;
	[tilespmem:v2+s17+$0x0] =	vst.idx.msk $0xffff, v1  }
0x6e: {  	v2 =	vor.u32 s15, v0;
	v1 =	vld [tilespmem:s1+$0x100];
	_ =	sdelay $0x4  }
0x6f: {  	s30 =	sadd.s32 $0xFFFFFFF4, s25;
	[tilespmem:v2+s17+$0x0] =	vst.idx.msk $0xffff, v1  }
0x70: {  	v2 =	vor.u32 s30, v0;
	v1 =	vld [tilespmem:s1+$0x180];
	_ =	sdelay $0x4  }
0x71: {  	s31 =	sadd.s32 $0xFFFFFFF5, s25;
	[tilespmem:v2+s17+$0x0] =	vst.idx.msk $0xffff, v1  }
0x72: {  	v2 =	vor.u32 s31, v0;
	v1 =	vld [tilespmem:s1+$0x200];
	_ =	sdelay $0x4  }
0x73: {  	s15 =	sadd.s32 $0xFFFFFFF6, s25;
	[tilespmem:v2+s17+$0x0] =	vst.idx.msk $0xffff, v1  }
0x74: {  	v2 =	vor.u32 s15, v0;
	v1 =	vld [tilespmem:s1+$0x280];
	_ =	sdelay $0x4  }
0x75: {  	s30 =	sadd.s32 $0xFFFFFFF7, s25;
	[tilespmem:v2+s17+$0x0] =	vst.idx.msk $0xffff, v1  }
0x76: {  	v2 =	vor.u32 s30, v0;
	v1 =	vld [tilespmem:s1+$0x300];
	_ =	sdelay $0x3  }
0x77: {  	s31 =	sor.u32 s28, s29  }
0x78: {  	s0 =	sor.u32 $0x380, s31;
	s15 =	sadd.s32 $0xFFFFFFF8, s25;
	[tilespmem:v2+s17+$0x0] =	vst.idx.msk $0xffff, v1  }
0x79: {  	v2 =	vor.u32 s15, v0;
	v1 =	vld [tilespmem:s0+$0x0];
	_ =	sdelay $0x4  }
0x7a: {  	s29 =	sadd.s32 $0xFFFFFFF9, s25;
	[tilespmem:v2+s17+$0x0] =	vst.idx.msk $0xffff, v1  }
0x7b: {  	v2 =	vor.u32 s29, v0;
	v1 =	vld [tilespmem:s1+$0x1000];
	_ =	sdelay $0x4  }
0x7c: {  	s30 =	sadd.s32 $0xFFFFFFFA, s25;
	[tilespmem:v2+s17+$0x0] =	vst.idx.msk $0xffff, v1  }
0x7d: {  	v2 =	vor.u32 s30, v0;
	v1 =	vld [tilespmem:s1+$0x1080];
	_ =	sdelay $0x4  }
0x7e: {  	s31 =	sadd.s32 $0xFFFFFFFB, s25;
	[tilespmem:v2+s17+$0x0] =	vst.idx.msk $0xffff, v1  }
0x7f: {  	v2 =	vor.u32 s31, v0;
	v1 =	vld [tilespmem:s1+$0x1100];
	_ =	sdelay $0x4  }
0x80: {  	s15 =	sadd.s32 $0xFFFFFFFC, s25;
	[tilespmem:v2+s17+$0x0] =	vst.idx.msk $0xffff, v1  }
0x81: {  	v2 =	vor.u32 s15, v0;
	v1 =	vld [tilespmem:s1+$0x1180];
	_ =	sdelay $0x4  }
0x82: {  	s28 =	sadd.s32 $0xFFFFFFFD, s25;
	[tilespmem:v2+s17+$0x0] =	vst.idx.msk $0xffff, v1  }
0x83: {  	v2 =	vor.u32 s28, v0;
	v1 =	vld [tilespmem:s1+$0x1200];
	_ =	sdelay $0x4  }
0x84: {  	s29 =	sadd.s32 $0xFFFFFFFE, s25;
	[tilespmem:v2+s17+$0x0] =	vst.idx.msk $0xffff, v1  }
0x85: {  	v2 =	vor.u32 s29, v0;
	v1 =	vld [tilespmem:s1+$0x1280];
	_ =	sdelay $0x4  }
0x86: {  	s30 =	sadd.s32 $0xFFFFFFFF, s25;
	[tilespmem:v2+s17+$0x0] =	vst.idx.msk $0xffff, v1  }
0x87: {  	v2 =	vor.u32 s30, v0;
	v1 =	vld [tilespmem:s1+$0x1300];
	_ =	sdelay $0x4  }
0x88: {  	[tilespmem:v2+s17+$0x0] =	vst.idx.msk $0xffff, v1  }
0x89: {  	v2 =	vor.u32 s25, v0;
	v1 =	vld [tilespmem:s1+$0x1380]  }
0x8a: {  	p2 =	seq.s32 s24, $0x1E  }
.Ltmp5:
0x8b: {  	s31 =	sshll.u32 s24, $0xE;
	(pc) =	sbr.rel @p2 .LBB2_10-.Ltmp5, $4  }
0x8c: {  	s0 =	sadd.s32 s7, s31  }
0x8d: {  	s0 =	sshrl.u32 s0, $0x3  }
0x8e: {  	s0 =	sadd.s32 s3, s0;
	[tilespmem:v2+s17+$0x0] =	vst.idx.msk $0xffff, v1  }
0x8f: {  	[hbm4b:s0+s4] =	stream.linear.scatter [tilespmem:s17], [sflag:$0x3], $0x2000, $0x38;
	[tilespmem:$0x8000] =	vst v63  }
0x90: {  	s26 =	sor.u32 $0x1, s26  }
0x91: {  	p2 =	sgt.u32 s26, $0x3C  }
.Ltmp6:
0x92: {  	s25 =	sshll.u32 s24, $0xD;
	(pc) =	sbr.rel @p2 .LBB2_9-.Ltmp6, $4  }
0x93: {  	s0 =	sadd.s32 s25, s8  }
0x94: {  	s0 =	sshrl.u32 s0, $0x3  }
0x95: {  	s0 =	sadd.s32 s2, s0  }
0x96: {  	[tilespmem:s4], [sflag:$0x1] =	stream.strided.gather [hbm4b:s0+s13], $0x2000, s14, s13, $0x38;
	[tilespmem:$0x8000] =	vst v63  }
0x97: {  	_ =	swait.ge [sflag:s21], $0x2000  }
0x98: {  	[sflag:s21] =	ssyncset.done $0x0  }
0x99: {  	s0 =	simm.s32 @!p1 $0x4;
	[sflag:s21] =	ssyncadd.s32 $0xFFFFE000  }
0x9a: {  	s28 =	simm.s32 $0x0;
	_ =	swait.ge @!p1 [sflag:s0], $0x2000  }
0x9b: {  	s1 =	sand.u32 $0x70, s28;
	s29 =	sand.u32 $0xC00, s28;
	[sflag:s0] =	ssyncset.done @!p1 $0x0  }
0x9c: {  	s15 =	simm.s32 $0x0;
	s1 =	sor.u32 s1, s29;
	[sflag:s0] =	ssyncadd.s32 @!p1 $0xFFFFE000  }
0x9d: {  	v2 =	vor.u32 s15, v0;
	v1 =	vld [tilespmem:s1+$0x2000];
	_ =	sdelay $0x4  }
0x9e: {  	s15 =	simm.s32 $0x1;
	[tilespmem:v2+s22+$0x0] =	vst.idx.msk $0xffff, v1  }
0x9f: {  	v2 =	vor.u32 s15, v0;
	v1 =	vld [tilespmem:s1+$0x2080];
	_ =	sdelay $0x4  }
0xa0: {  	s15 =	simm.s32 $0x2;
	[tilespmem:v2+s22+$0x0] =	vst.idx.msk $0xffff, v1  }
0xa1: {  	v2 =	vor.u32 s15, v0;
	v1 =	vld [tilespmem:s1+$0x2100];
	_ =	sdelay $0x4  }
0xa2: {  	s15 =	simm.s32 $0x3;
	[tilespmem:v2+s22+$0x0] =	vst.idx.msk $0xffff, v1  }
0xa3: {  	v2 =	vor.u32 s15, v0;
	v1 =	vld [tilespmem:s1+$0x2180];
	_ =	sdelay $0x4  }
0xa4: {  	s15 =	simm.s32 $0x4;
	[tilespmem:v2+s22+$0x0] =	vst.idx.msk $0xffff, v1  }
0xa5: {  	v2 =	vor.u32 s15, v0;
	v1 =	vld [tilespmem:s1+$0x2200];
	_ =	sdelay $0x4  }
0xa6: {  	s15 =	simm.s32 $0x5;
	[tilespmem:v2+s22+$0x0] =	vst.idx.msk $0xffff, v1  }
0xa7: {  	v2 =	vor.u32 s15, v0;
	v1 =	vld [tilespmem:s1+$0x2280];
	_ =	sdelay $0x4  }
0xa8: {  	s15 =	simm.s32 $0x6;
	[tilespmem:v2+s22+$0x0] =	vst.idx.msk $0xffff, v1  }
0xa9: {  	v2 =	vor.u32 s15, v0;
	v1 =	vld [tilespmem:s1+$0x2300];
	_ =	sdelay $0x3  }
0xaa: {  	s15 =	sor.u32 s28, s28  }
0xab: {  	s28 =	simm.s32 $0x7;
	s0 =	sor.u32 $0x380, s15;
	[tilespmem:v2+s22+$0x0] =	vst.idx.msk $0xffff, v1  }
0xac: {  	v2 =	vor.u32 s28, v0;
	v1 =	vld [tilespmem:s0+$0x2000];
	_ =	sdelay $0x4  }
0xad: {  	s15 =	simm.s32 $0x8;
	[tilespmem:v2+s22+$0x0] =	vst.idx.msk $0xffff, v1  }
0xae: {  	v2 =	vor.u32 s15, v0;
	v1 =	vld [tilespmem:s1+$0x3000];
	_ =	sdelay $0x4  }
0xaf: {  	s15 =	simm.s32 $0x9;
	[tilespmem:v2+s22+$0x0] =	vst.idx.msk $0xffff, v1  }
0xb0: {  	v2 =	vor.u32 s15, v0;
	v1 =	vld [tilespmem:s1+$0x3080];
	_ =	sdelay $0x4  }
0xb1: {  	s15 =	simm.s32 $0xA;
	[tilespmem:v2+s22+$0x0] =	vst.idx.msk $0xffff, v1  }
0xb2: {  	v2 =	vor.u32 s15, v0;
	v1 =	vld [tilespmem:s1+$0x3100];
	_ =	sdelay $0x4  }
0xb3: {  	s15 =	simm.s32 $0xB;
	[tilespmem:v2+s22+$0x0] =	vst.idx.msk $0xffff, v1  }
0xb4: {  	v2 =	vor.u32 s15, v0;
	v1 =	vld [tilespmem:s1+$0x3180];
	_ =	sdelay $0x4  }
0xb5: {  	s15 =	simm.s32 $0xC;
	[tilespmem:v2+s22+$0x0] =	vst.idx.msk $0xffff, v1  }
0xb6: {  	v2 =	vor.u32 s15, v0;
	v1 =	vld [tilespmem:s1+$0x3200];
	_ =	sdelay $0x4  }
0xb7: {  	s15 =	simm.s32 $0xD;
	[tilespmem:v2+s22+$0x0] =	vst.idx.msk $0xffff, v1  }
0xb8: {  	v2 =	vor.u32 s15, v0;
	v1 =	vld [tilespmem:s1+$0x3280];
	_ =	sdelay $0x4  }
0xb9: {  	s15 =	simm.s32 $0xE;
	[tilespmem:v2+s22+$0x0] =	vst.idx.msk $0xffff, v1  }
0xba: {  	v2 =	vor.u32 s15, v0;
	v1 =	vld [tilespmem:s1+$0x3300];
	_ =	sdelay $0x4  }
0xbb: {  	s15 =	simm.s32 $0xF;
	[tilespmem:v2+s22+$0x0] =	vst.idx.msk $0xffff, v1  }
0xbc: {  	v2 =	vor.u32 s15, v0;
	v1 =	vld [tilespmem:s1+$0x3380];
	_ =	sdelay $0x2  }
0xbd: {  	s30 =	simm.s32 $0x10;
	s31 =	simm.s32 $0x20F;
	s29 =	simm.s32 $0x80  }
0xbe: {  	s28 =	simm.s32 $0x10F;
	s0 =	sand.u32 $0xC00, s29;
	s1 =	sand.u32 $0x70, s30  }
.LBB2_7:
0xbf: {  	p1 =	sne.s32 s31, $0x1F0F;
	s1 =	sor.u32 s1, s0;
	s0 =	sadd.s32 $0xFFFFFFF1, s28;
	[tilespmem:v2+s22+$0x0] =	vst.idx.msk $0xffff, v1  }
0xc0: {  	v1 =	vld [tilespmem:s1+$0x2000];
	v2 =	vor.u32 s0, v0;
	_ =	sdelay $0x4  }
0xc1: {  	s0 =	sadd.s32 $0xFFFFFFF2, s28;
	[tilespmem:v2+s22+$0x0] =	vst.idx.msk $0xffff, v1  }
0xc2: {  	v2 =	vor.u32 s0, v0;
	v1 =	vld [tilespmem:s1+$0x2080];
	_ =	sdelay $0x4  }
0xc3: {  	s0 =	sadd.s32 $0xFFFFFFF3, s28;
	[tilespmem:v2+s22+$0x0] =	vst.idx.msk $0xffff, v1  }
0xc4: {  	v2 =	vor.u32 s0, v0;
	v1 =	vld [tilespmem:s1+$0x2100];
	_ =	sdelay $0x4  }
0xc5: {  	s0 =	sadd.s32 $0xFFFFFFF4, s28;
	[tilespmem:v2+s22+$0x0] =	vst.idx.msk $0xffff, v1  }
0xc6: {  	v2 =	vor.u32 s0, v0;
	v1 =	vld [tilespmem:s1+$0x2180];
	_ =	sdelay $0x4  }
0xc7: {  	s0 =	sadd.s32 $0xFFFFFFF5, s28;
	[tilespmem:v2+s22+$0x0] =	vst.idx.msk $0xffff, v1  }
0xc8: {  	v2 =	vor.u32 s0, v0;
	v1 =	vld [tilespmem:s1+$0x2200];
	_ =	sdelay $0x4  }
0xc9: {  	s0 =	sadd.s32 $0xFFFFFFF6, s28;
	[tilespmem:v2+s22+$0x0] =	vst.idx.msk $0xffff, v1  }
0xca: {  	v2 =	vor.u32 s0, v0;
	v1 =	vld [tilespmem:s1+$0x2280];
	_ =	sdelay $0x4  }
0xcb: {  	s0 =	sadd.s32 $0xFFFFFFF7, s28;
	[tilespmem:v2+s22+$0x0] =	vst.idx.msk $0xffff, v1  }
0xcc: {  	v2 =	vor.u32 s0, v0;
	v1 =	vld [tilespmem:s1+$0x2300];
	_ =	sdelay $0x3  }
0xcd: {  	s0 =	sor.u32 s29, s30  }
0xce: {  	s15 =	sadd.s32 $0xFFFFFFF8, s28;
	s0 =	sor.u32 $0x380, s0;
	[tilespmem:v2+s22+$0x0] =	vst.idx.msk $0xffff, v1  }
0xcf: {  	v2 =	vor.u32 s15, v0;
	v1 =	vld [tilespmem:s0+$0x2000];
	_ =	sdelay $0x4  }
0xd0: {  	s0 =	sadd.s32 $0xFFFFFFF9, s28;
	[tilespmem:v2+s22+$0x0] =	vst.idx.msk $0xffff, v1  }
0xd1: {  	v2 =	vor.u32 s0, v0;
	v1 =	vld [tilespmem:s1+$0x3000];
	_ =	sdelay $0x4  }
0xd2: {  	s0 =	sadd.s32 $0xFFFFFFFA, s28;
	[tilespmem:v2+s22+$0x0] =	vst.idx.msk $0xffff, v1  }
0xd3: {  	v2 =	vor.u32 s0, v0;
	v1 =	vld [tilespmem:s1+$0x3080];
	_ =	sdelay $0x4  }
0xd4: {  	s0 =	sadd.s32 $0xFFFFFFFB, s28;
	[tilespmem:v2+s22+$0x0] =	vst.idx.msk $0xffff, v1  }
0xd5: {  	v2 =	vor.u32 s0, v0;
	v1 =	vld [tilespmem:s1+$0x3100];
	_ =	sdelay $0x4  }
0xd6: {  	s0 =	sadd.s32 $0xFFFFFFFC, s28;
	[tilespmem:v2+s22+$0x0] =	vst.idx.msk $0xffff, v1  }
0xd7: {  	v2 =	vor.u32 s0, v0;
	v1 =	vld [tilespmem:s1+$0x3180];
	_ =	sdelay $0x4  }
0xd8: {  	s0 =	sadd.s32 $0xFFFFFFFD, s28;
	[tilespmem:v2+s22+$0x0] =	vst.idx.msk $0xffff, v1  }
0xd9: {  	v2 =	vor.u32 s0, v0;
	v1 =	vld [tilespmem:s1+$0x3200];
	_ =	sdelay $0x4  }
0xda: {  	s0 =	sadd.s32 $0xFFFFFFFE, s28;
	[tilespmem:v2+s22+$0x0] =	vst.idx.msk $0xffff, v1  }
0xdb: {  	v2 =	vor.u32 s0, v0;
	v1 =	vld [tilespmem:s1+$0x3280];
	_ =	sdelay $0x4  }
0xdc: {  	s0 =	sadd.s32 $0xFFFFFFFF, s28;
	[tilespmem:v2+s22+$0x0] =	vst.idx.msk $0xffff, v1  }
0xdd: {  	v2 =	vor.u32 s0, v0;
	v1 =	vld [tilespmem:s1+$0x3300];
	_ =	sdelay $0x4  }
0xde: {  	[tilespmem:v2+s22+$0x0] =	vst.idx.msk $0xffff, v1  }
.Ltmp7:
0xdf: {  	v2 =	vor.u32 s28, v0;
	s28 =	smov.u32 s31;
	v1 =	vld [tilespmem:s1+$0x3380];
	(pc) =	sbr.rel @p1 .LBB2_7-.Ltmp7, $3  }
0xe0: {  	_ =	sdelay $0x1  }
0xe1: {  	s29 =	sadd.s32 $0x80, s29;
	s30 =	sadd.s32 $0x10, s30  }
0xe2: {  	s0 =	sand.u32 $0xC00, s29;
	s31 =	sadd.s32 $0x100, s31;
	s1 =	sand.u32 $0x70, s30  }
0xe3: {  	_ =	sdelay $0x3  }
0xe4: {  	s1 =	sor.u32 s1, s0;
	s15 =	sadd.s32 $0xFFFFFFF1, s28;
	[tilespmem:v2+s22+$0x0] =	vst.idx.msk $0xffff, v1  }
0xe5: {  	v1 =	vld [tilespmem:s1+$0x2000];
	v2 =	vor.u32 s15, v0;
	_ =	sdelay $0x4  }
0xe6: {  	s31 =	sadd.s32 $0xFFFFFFF2, s28;
	[tilespmem:v2+s22+$0x0] =	vst.idx.msk $0xffff, v1  }
0xe7: {  	v2 =	vor.u32 s31, v0;
	v1 =	vld [tilespmem:s1+$0x2080];
	_ =	sdelay $0x4  }
0xe8: {  	s15 =	sadd.s32 $0xFFFFFFF3, s28;
	[tilespmem:v2+s22+$0x0] =	vst.idx.msk $0xffff, v1  }
0xe9: {  	v2 =	vor.u32 s15, v0;
	v1 =	vld [tilespmem:s1+$0x2100];
	_ =	sdelay $0x4  }
0xea: {  	s31 =	sadd.s32 $0xFFFFFFF4, s28;
	[tilespmem:v2+s22+$0x0] =	vst.idx.msk $0xffff, v1  }
0xeb: {  	v2 =	vor.u32 s31, v0;
	v1 =	vld [tilespmem:s1+$0x2180];
	_ =	sdelay $0x4  }
0xec: {  	s15 =	sadd.s32 $0xFFFFFFF5, s28;
	[tilespmem:v2+s22+$0x0] =	vst.idx.msk $0xffff, v1  }
0xed: {  	v2 =	vor.u32 s15, v0;
	v1 =	vld [tilespmem:s1+$0x2200];
	_ =	sdelay $0x4  }
0xee: {  	s31 =	sadd.s32 $0xFFFFFFF6, s28;
	[tilespmem:v2+s22+$0x0] =	vst.idx.msk $0xffff, v1  }
0xef: {  	v2 =	vor.u32 s31, v0;
	v1 =	vld [tilespmem:s1+$0x2280];
	_ =	sdelay $0x4  }
0xf0: {  	s15 =	sadd.s32 $0xFFFFFFF7, s28;
	[tilespmem:v2+s22+$0x0] =	vst.idx.msk $0xffff, v1  }
0xf1: {  	v2 =	vor.u32 s15, v0;
	v1 =	vld [tilespmem:s1+$0x2300];
	_ =	sdelay $0x3  }
0xf2: {  	s31 =	sor.u32 s29, s30  }
0xf3: {  	s0 =	sor.u32 $0x380, s31;
	s15 =	sadd.s32 $0xFFFFFFF8, s28;
	[tilespmem:v2+s22+$0x0] =	vst.idx.msk $0xffff, v1  }
0xf4: {  	v2 =	vor.u32 s15, v0;
	v1 =	vld [tilespmem:s0+$0x2000];
	_ =	sdelay $0x4  }
0xf5: {  	s15 =	sadd.s32 $0xFFFFFFF9, s28;
	[tilespmem:v2+s22+$0x0] =	vst.idx.msk $0xffff, v1  }
0xf6: {  	v2 =	vor.u32 s15, v0;
	v1 =	vld [tilespmem:s1+$0x3000];
	_ =	sdelay $0x4  }
0xf7: {  	s29 =	sadd.s32 $0xFFFFFFFA, s28;
	[tilespmem:v2+s22+$0x0] =	vst.idx.msk $0xffff, v1  }
0xf8: {  	v2 =	vor.u32 s29, v0;
	v1 =	vld [tilespmem:s1+$0x3080];
	_ =	sdelay $0x4  }
0xf9: {  	s30 =	sadd.s32 $0xFFFFFFFB, s28;
	[tilespmem:v2+s22+$0x0] =	vst.idx.msk $0xffff, v1  }
0xfa: {  	v2 =	vor.u32 s30, v0;
	v1 =	vld [tilespmem:s1+$0x3100];
	_ =	sdelay $0x4  }
0xfb: {  	s31 =	sadd.s32 $0xFFFFFFFC, s28;
	[tilespmem:v2+s22+$0x0] =	vst.idx.msk $0xffff, v1  }
0xfc: {  	v2 =	vor.u32 s31, v0;
	v1 =	vld [tilespmem:s1+$0x3180];
	_ =	sdelay $0x4  }
0xfd: {  	s15 =	sadd.s32 $0xFFFFFFFD, s28;
	[tilespmem:v2+s22+$0x0] =	vst.idx.msk $0xffff, v1  }
0xfe: {  	v2 =	vor.u32 s15, v0;
	v1 =	vld [tilespmem:s1+$0x3200];
	_ =	sdelay $0x4  }
0xff: {  	s29 =	sadd.s32 $0xFFFFFFFE, s28;
	[tilespmem:v2+s22+$0x0] =	vst.idx.msk $0xffff, v1  }
0x100: {  	v2 =	vor.u32 s29, v0;
	v1 =	vld [tilespmem:s1+$0x3280];
	_ =	sdelay $0x4  }
0x101: {  	s30 =	sadd.s32 $0xFFFFFFFF, s28;
	[tilespmem:v2+s22+$0x0] =	vst.idx.msk $0xffff, v1  }
0x102: {  	v2 =	vor.u32 s30, v0;
	v1 =	vld [tilespmem:s1+$0x3300];
	_ =	sdelay $0x4  }
0x103: {  	[tilespmem:v2+s22+$0x0] =	vst.idx.msk $0xffff, v1  }
0x104: {  	v2 =	vor.u32 s28, v0;
	v1 =	vld [tilespmem:s1+$0x3380];
	_ =	sdelay $0x1  }
0x105: {  	s31 =	sshll.u32 s26, $0xD  }
0x106: {  	s0 =	sadd.s32 s7, s31  }
0x107: {  	s0 =	sshrl.u32 s0, $0x3  }
0x108: {  	s0 =	sadd.s32 s3, s0;
	[tilespmem:v2+s22+$0x0] =	vst.idx.msk $0xffff, v1  }
0x109: {  	[hbm4b:s0+s4] =	stream.linear.scatter [tilespmem:s22], [sflag:$0x4], $0x2000, $0x38;
	[tilespmem:$0x8000] =	vst v63  }
.Ltmp8:
0x10a: {  	p1 =	sgt.u32 s24, $0x1C;
	(pc) =	sbr.rel .LBB2_9-.Ltmp8, $4  }
0x10b: {  	s0 =	sadd.s32 @!p1 s25, s9  }
0x10c: {  	s15 =	simm.s32 @!p1 $0x7A1400;
	s0 =	sshrl.u32 @!p1 s0, $0x3  }
0x10d: {  	s1 =	simm.s32 @!p1 $0x1000;
	s25 =	simm.s32 @!p1 $0x2000;
	s0 =	sadd.s32 @!p1 s2, s0  }
0x10e: {  	[tilespmem:s25], [sflag:$0x2] =	stream.strided.gather @!p1 [hbm4b:s0+s1], $0x2000, s15, s1, $0x38;
	[tilespmem:$0x8000] =	vst v63  }
.LBB2_10:
0x10f: {  	_ =	swait.ge [sflag:s18], $0x2000  }
.Ltmp9:
0x110: {  	[sflag:s18] =	ssyncset.done $0x0;
	(pc) =	sbr.rel @p0 .LBB2_14-.Ltmp9, $4  }
0x111: {  	[sflag:s18] =	ssyncadd.s32 $0xFFFFE000  }
0x112: {  	_ =	swait.ge [sflag:s19], $0x2000  }
0x113: {  	[sflag:s19] =	ssyncset.done $0x0  }
0x114: {  	[sflag:s19] =	ssyncadd.s32 $0xFFFFE000  }
0x115: {  	s0 =	simm.s32 $0x0  }
0x116: {  	[tilespmem:s0], [sflag:$0x5] =	stream.strided.gather [hbm4b:s10+s13], $0x2000, s14, s13, $0x38;
	[tilespmem:$0x8000] =	vst v63  }
0x117: {  	_ =	swait.ge [sflag:s20], $0x2000  }
0x118: {  	s1 =	sand.u32 $0x70, s0;
	s15 =	sand.u32 $0xC00, s0;
	[sflag:s20] =	ssyncset.done $0x0  }
0x119: {  	s29 =	simm.s32 $0x0;
	s1 =	sor.u32 s1, s15;
	[sflag:s20] =	ssyncadd.s32 $0xFFFFE000  }
0x11a: {  	v2 =	vor.u32 s29, v0;
	v1 =	vld [tilespmem:s1+$0x0];
	_ =	sdelay $0x4  }
0x11b: {  	s30 =	simm.s32 $0x1;
	[tilespmem:v2+s17+$0x0] =	vst.idx.msk $0xffff, v1  }
0x11c: {  	v2 =	vor.u32 s30, v0;
	v1 =	vld [tilespmem:s1+$0x80];
	_ =	sdelay $0x4  }
0x11d: {  	s31 =	simm.s32 $0x2;
	[tilespmem:v2+s17+$0x0] =	vst.idx.msk $0xffff, v1  }
0x11e: {  	v2 =	vor.u32 s31, v0;
	v1 =	vld [tilespmem:s1+$0x100];
	_ =	sdelay $0x4  }
0x11f: {  	s24 =	simm.s32 $0x3;
	[tilespmem:v2+s17+$0x0] =	vst.idx.msk $0xffff, v1  }
0x120: {  	v2 =	vor.u32 s24, v0;
	v1 =	vld [tilespmem:s1+$0x180];
	_ =	sdelay $0x4  }
0x121: {  	s25 =	simm.s32 $0x4;
	[tilespmem:v2+s17+$0x0] =	vst.idx.msk $0xffff, v1  }
0x122: {  	v2 =	vor.u32 s25, v0;
	v1 =	vld [tilespmem:s1+$0x200];
	_ =	sdelay $0x4  }
0x123: {  	s26 =	simm.s32 $0x5;
	[tilespmem:v2+s17+$0x0] =	vst.idx.msk $0xffff, v1  }
0x124: {  	v2 =	vor.u32 s26, v0;
	v1 =	vld [tilespmem:s1+$0x280];
	_ =	sdelay $0x4  }
0x125: {  	s29 =	simm.s32 $0x6;
	[tilespmem:v2+s17+$0x0] =	vst.idx.msk $0xffff, v1  }
0x126: {  	v2 =	vor.u32 s29, v0;
	v1 =	vld [tilespmem:s1+$0x300];
	_ =	sdelay $0x3  }
0x127: {  	s0 =	sor.u32 s0, s0  }
0x128: {  	s0 =	sor.u32 $0x380, s0;
	s30 =	simm.s32 $0x7;
	[tilespmem:v2+s17+$0x0] =	vst.idx.msk $0xffff, v1  }
0x129: {  	v2 =	vor.u32 s30, v0;
	v1 =	vld [tilespmem:s0+$0x0];
	_ =	sdelay $0x4  }
0x12a: {  	s31 =	simm.s32 $0x8;
	[tilespmem:v2+s17+$0x0] =	vst.idx.msk $0xffff, v1  }
0x12b: {  	v2 =	vor.u32 s31, v0;
	v1 =	vld [tilespmem:s1+$0x1000];
	_ =	sdelay $0x4  }
0x12c: {  	s15 =	simm.s32 $0x9;
	[tilespmem:v2+s17+$0x0] =	vst.idx.msk $0xffff, v1  }
0x12d: {  	v2 =	vor.u32 s15, v0;
	v1 =	vld [tilespmem:s1+$0x1080];
	_ =	sdelay $0x4  }
0x12e: {  	s24 =	simm.s32 $0xA;
	[tilespmem:v2+s17+$0x0] =	vst.idx.msk $0xffff, v1  }
0x12f: {  	v2 =	vor.u32 s24, v0;
	v1 =	vld [tilespmem:s1+$0x1100];
	_ =	sdelay $0x4  }
0x130: {  	s25 =	simm.s32 $0xB;
	[tilespmem:v2+s17+$0x0] =	vst.idx.msk $0xffff, v1  }
0x131: {  	v2 =	vor.u32 s25, v0;
	v1 =	vld [tilespmem:s1+$0x1180];
	_ =	sdelay $0x4  }
0x132: {  	s26 =	simm.s32 $0xC;
	[tilespmem:v2+s17+$0x0] =	vst.idx.msk $0xffff, v1  }
0x133: {  	v2 =	vor.u32 s26, v0;
	v1 =	vld [tilespmem:s1+$0x1200];
	_ =	sdelay $0x4  }
0x134: {  	s29 =	simm.s32 $0xD;
	[tilespmem:v2+s17+$0x0] =	vst.idx.msk $0xffff, v1  }
0x135: {  	v2 =	vor.u32 s29, v0;
	v1 =	vld [tilespmem:s1+$0x1280];
	_ =	sdelay $0x4  }
0x136: {  	s30 =	simm.s32 $0xE;
	[tilespmem:v2+s17+$0x0] =	vst.idx.msk $0xffff, v1  }
0x137: {  	v2 =	vor.u32 s30, v0;
	v1 =	vld [tilespmem:s1+$0x1300];
	_ =	sdelay $0x4  }
0x138: {  	s31 =	simm.s32 $0xF;
	[tilespmem:v2+s17+$0x0] =	vst.idx.msk $0xffff, v1  }
0x139: {  	v2 =	vor.u32 s31, v0;
	v1 =	vld [tilespmem:s1+$0x1380];
	_ =	sdelay $0x2  }
0x13a: {  	s28 =	simm.s32 $0x20F;
	s25 =	simm.s32 $0x80;
	s26 =	simm.s32 $0x10  }
0x13b: {  	s24 =	simm.s32 $0x10F;
	s0 =	sand.u32 $0xC00, s25;
	s1 =	sand.u32 $0x70, s26  }
.LBB2_12:
0x13c: {  	p1 =	sne.s32 s28, $0x1F0F;
	s1 =	sor.u32 s1, s0;
	s0 =	sadd.s32 $0xFFFFFFF1, s24;
	[tilespmem:v2+s17+$0x0] =	vst.idx.msk $0xffff, v1  }
0x13d: {  	v1 =	vld [tilespmem:s1+$0x0];
	v2 =	vor.u32 s0, v0;
	_ =	sdelay $0x4  }
0x13e: {  	s0 =	sadd.s32 $0xFFFFFFF2, s24;
	[tilespmem:v2+s17+$0x0] =	vst.idx.msk $0xffff, v1  }
0x13f: {  	v2 =	vor.u32 s0, v0;
	v1 =	vld [tilespmem:s1+$0x80];
	_ =	sdelay $0x4  }
0x140: {  	s0 =	sadd.s32 $0xFFFFFFF3, s24;
	[tilespmem:v2+s17+$0x0] =	vst.idx.msk $0xffff, v1  }
0x141: {  	v2 =	vor.u32 s0, v0;
	v1 =	vld [tilespmem:s1+$0x100];
	_ =	sdelay $0x4  }
0x142: {  	s0 =	sadd.s32 $0xFFFFFFF4, s24;
	[tilespmem:v2+s17+$0x0] =	vst.idx.msk $0xffff, v1  }
0x143: {  	v2 =	vor.u32 s0, v0;
	v1 =	vld [tilespmem:s1+$0x180];
	_ =	sdelay $0x4  }
0x144: {  	s0 =	sadd.s32 $0xFFFFFFF5, s24;
	[tilespmem:v2+s17+$0x0] =	vst.idx.msk $0xffff, v1  }
0x145: {  	v2 =	vor.u32 s0, v0;
	v1 =	vld [tilespmem:s1+$0x200];
	_ =	sdelay $0x4  }
0x146: {  	s0 =	sadd.s32 $0xFFFFFFF6, s24;
	[tilespmem:v2+s17+$0x0] =	vst.idx.msk $0xffff, v1  }
0x147: {  	v2 =	vor.u32 s0, v0;
	v1 =	vld [tilespmem:s1+$0x280];
	_ =	sdelay $0x4  }
0x148: {  	s0 =	sadd.s32 $0xFFFFFFF7, s24;
	[tilespmem:v2+s17+$0x0] =	vst.idx.msk $0xffff, v1  }
0x149: {  	v2 =	vor.u32 s0, v0;
	v1 =	vld [tilespmem:s1+$0x300];
	_ =	sdelay $0x3  }
0x14a: {  	s0 =	sor.u32 s25, s26  }
0x14b: {  	s15 =	sadd.s32 $0xFFFFFFF8, s24;
	s0 =	sor.u32 $0x380, s0;
	[tilespmem:v2+s17+$0x0] =	vst.idx.msk $0xffff, v1  }
0x14c: {  	v2 =	vor.u32 s15, v0;
	v1 =	vld [tilespmem:s0+$0x0];
	_ =	sdelay $0x4  }
0x14d: {  	s0 =	sadd.s32 $0xFFFFFFF9, s24;
	[tilespmem:v2+s17+$0x0] =	vst.idx.msk $0xffff, v1  }
0x14e: {  	v2 =	vor.u32 s0, v0;
	v1 =	vld [tilespmem:s1+$0x1000];
	_ =	sdelay $0x4  }
0x14f: {  	s0 =	sadd.s32 $0xFFFFFFFA, s24;
	[tilespmem:v2+s17+$0x0] =	vst.idx.msk $0xffff, v1  }
0x150: {  	v2 =	vor.u32 s0, v0;
	v1 =	vld [tilespmem:s1+$0x1080];
	_ =	sdelay $0x4  }
0x151: {  	s0 =	sadd.s32 $0xFFFFFFFB, s24;
	[tilespmem:v2+s17+$0x0] =	vst.idx.msk $0xffff, v1  }
0x152: {  	v2 =	vor.u32 s0, v0;
	v1 =	vld [tilespmem:s1+$0x1100];
	_ =	sdelay $0x4  }
0x153: {  	s0 =	sadd.s32 $0xFFFFFFFC, s24;
	[tilespmem:v2+s17+$0x0] =	vst.idx.msk $0xffff, v1  }
0x154: {  	v2 =	vor.u32 s0, v0;
	v1 =	vld [tilespmem:s1+$0x1180];
	_ =	sdelay $0x4  }
0x155: {  	s0 =	sadd.s32 $0xFFFFFFFD, s24;
	[tilespmem:v2+s17+$0x0] =	vst.idx.msk $0xffff, v1  }
0x156: {  	v2 =	vor.u32 s0, v0;
	v1 =	vld [tilespmem:s1+$0x1200];
	_ =	sdelay $0x4  }
0x157: {  	s0 =	sadd.s32 $0xFFFFFFFE, s24;
	[tilespmem:v2+s17+$0x0] =	vst.idx.msk $0xffff, v1  }
0x158: {  	v2 =	vor.u32 s0, v0;
	v1 =	vld [tilespmem:s1+$0x1280];
	_ =	sdelay $0x4  }
0x159: {  	s0 =	sadd.s32 $0xFFFFFFFF, s24;
	[tilespmem:v2+s17+$0x0] =	vst.idx.msk $0xffff, v1  }
0x15a: {  	v2 =	vor.u32 s0, v0;
	v1 =	vld [tilespmem:s1+$0x1300];
	_ =	sdelay $0x4  }
0x15b: {  	[tilespmem:v2+s17+$0x0] =	vst.idx.msk $0xffff, v1  }
.Ltmp10:
0x15c: {  	v2 =	vor.u32 s24, v0;
	s24 =	smov.u32 s28;
	v1 =	vld [tilespmem:s1+$0x1380];
	(pc) =	sbr.rel @p1 .LBB2_12-.Ltmp10, $3  }
0x15d: {  	_ =	sdelay $0x1  }
0x15e: {  	s25 =	sadd.s32 $0x80, s25;
	s26 =	sadd.s32 $0x10, s26  }
0x15f: {  	s0 =	sand.u32 $0xC00, s25;
	s28 =	sadd.s32 $0x100, s28;
	s1 =	sand.u32 $0x70, s26  }
0x160: {  	_ =	sdelay $0x3  }
0x161: {  	s1 =	sor.u32 s1, s0;
	s29 =	sadd.s32 $0xFFFFFFF1, s24;
	[tilespmem:v2+s17+$0x0] =	vst.idx.msk $0xffff, v1  }
0x162: {  	v1 =	vld [tilespmem:s1+$0x0];
	v2 =	vor.u32 s29, v0;
	_ =	sdelay $0x4  }
0x163: {  	s30 =	sadd.s32 $0xFFFFFFF2, s24;
	[tilespmem:v2+s17+$0x0] =	vst.idx.msk $0xffff, v1  }
0x164: {  	v2 =	vor.u32 s30, v0;
	v1 =	vld [tilespmem:s1+$0x80];
	_ =	sdelay $0x4  }
0x165: {  	s31 =	sadd.s32 $0xFFFFFFF3, s24;
	[tilespmem:v2+s17+$0x0] =	vst.idx.msk $0xffff, v1  }
0x166: {  	v2 =	vor.u32 s31, v0;
	v1 =	vld [tilespmem:s1+$0x100];
	_ =	sdelay $0x4  }
0x167: {  	s15 =	sadd.s32 $0xFFFFFFF4, s24;
	[tilespmem:v2+s17+$0x0] =	vst.idx.msk $0xffff, v1  }
0x168: {  	v2 =	vor.u32 s15, v0;
	v1 =	vld [tilespmem:s1+$0x180];
	_ =	sdelay $0x4  }
0x169: {  	s28 =	sadd.s32 $0xFFFFFFF5, s24;
	[tilespmem:v2+s17+$0x0] =	vst.idx.msk $0xffff, v1  }
0x16a: {  	v2 =	vor.u32 s28, v0;
	v1 =	vld [tilespmem:s1+$0x200];
	_ =	sdelay $0x4  }
0x16b: {  	s29 =	sadd.s32 $0xFFFFFFF6, s24;
	[tilespmem:v2+s17+$0x0] =	vst.idx.msk $0xffff, v1  }
0x16c: {  	v2 =	vor.u32 s29, v0;
	v1 =	vld [tilespmem:s1+$0x280];
	_ =	sdelay $0x4  }
0x16d: {  	s30 =	sadd.s32 $0xFFFFFFF7, s24;
	[tilespmem:v2+s17+$0x0] =	vst.idx.msk $0xffff, v1  }
0x16e: {  	v2 =	vor.u32 s30, v0;
	v1 =	vld [tilespmem:s1+$0x300];
	_ =	sdelay $0x3  }
0x16f: {  	s31 =	sor.u32 s25, s26  }
0x170: {  	s0 =	sor.u32 $0x380, s31;
	s15 =	sadd.s32 $0xFFFFFFF8, s24;
	[tilespmem:v2+s17+$0x0] =	vst.idx.msk $0xffff, v1  }
0x171: {  	v2 =	vor.u32 s15, v0;
	v1 =	vld [tilespmem:s0+$0x0];
	_ =	sdelay $0x4  }
0x172: {  	s15 =	sadd.s32 $0xFFFFFFF9, s24;
	[tilespmem:v2+s17+$0x0] =	vst.idx.msk $0xffff, v1  }
0x173: {  	v2 =	vor.u32 s15, v0;
	v1 =	vld [tilespmem:s1+$0x1000];
	_ =	sdelay $0x4  }
0x174: {  	s25 =	sadd.s32 $0xFFFFFFFA, s24;
	[tilespmem:v2+s17+$0x0] =	vst.idx.msk $0xffff, v1  }
0x175: {  	v2 =	vor.u32 s25, v0;
	v1 =	vld [tilespmem:s1+$0x1080];
	_ =	sdelay $0x4  }
0x176: {  	s26 =	sadd.s32 $0xFFFFFFFB, s24;
	[tilespmem:v2+s17+$0x0] =	vst.idx.msk $0xffff, v1  }
0x177: {  	v2 =	vor.u32 s26, v0;
	v1 =	vld [tilespmem:s1+$0x1100];
	_ =	sdelay $0x4  }
0x178: {  	s28 =	sadd.s32 $0xFFFFFFFC, s24;
	[tilespmem:v2+s17+$0x0] =	vst.idx.msk $0xffff, v1  }
0x179: {  	v2 =	vor.u32 s28, v0;
	v1 =	vld [tilespmem:s1+$0x1180];
	_ =	sdelay $0x4  }
0x17a: {  	s29 =	sadd.s32 $0xFFFFFFFD, s24;
	[tilespmem:v2+s17+$0x0] =	vst.idx.msk $0xffff, v1  }
0x17b: {  	v2 =	vor.u32 s29, v0;
	v1 =	vld [tilespmem:s1+$0x1200];
	_ =	sdelay $0x4  }
0x17c: {  	s30 =	sadd.s32 $0xFFFFFFFE, s24;
	[tilespmem:v2+s17+$0x0] =	vst.idx.msk $0xffff, v1  }
0x17d: {  	v2 =	vor.u32 s30, v0;
	v1 =	vld [tilespmem:s1+$0x1280];
	_ =	sdelay $0x4  }
0x17e: {  	s31 =	sadd.s32 $0xFFFFFFFF, s24;
	[tilespmem:v2+s17+$0x0] =	vst.idx.msk $0xffff, v1  }
0x17f: {  	v2 =	vor.u32 s31, v0;
	v1 =	vld [tilespmem:s1+$0x1300];
	_ =	sdelay $0x4  }
0x180: {  	[tilespmem:v2+s17+$0x0] =	vst.idx.msk $0xffff, v1  }
0x181: {  	v2 =	vor.u32 s24, v0;
	v1 =	vld [tilespmem:s1+$0x1380];
	_ =	sdelay $0x4  }
.Ltmp11:
0x182: {  	[tilespmem:v2+s17+$0x0] =	vst.idx.msk $0xffff, v1;
	(pc) =	sbr.rel .LBB2_14-.Ltmp11, $4  }
0x183: {  	[hbm4b:s11+s4] =	stream.linear.scatter [tilespmem:s17], [sflag:$0x5], $0x2000, $0x38;
	[tilespmem:$0x8000] =	vst v63  }
0x184: {  	_ =	swait.ge [sflag:s20], $0x2000  }
0x185: {  	[sflag:s20] =	ssyncset.done $0x0  }
0x186: {  	[sflag:s20] =	ssyncadd.s32 $0xFFFFE000  }
.LBB2_15:
0x187: {  	_ =	sfence.sel $0x180000  }
0x188: {  	[bflag:$0x0] =	sbarrier.arrive $0xFFFF  }
0x189: {  	_ =	strace $0x90000047  }
0x18a: {  	s0 =	stileid.u32;
	[bflag:$0x2] =	sbarrier.arrive $0xFFFF  }
0x18b: {  	p0 =	sne.s32 s0, $0x0;
	s0 =	rddreg [dreg:$0x2]  }
0x18c: {  	s0 =	sadd.s32 @!p0 $0x100000, s0  }
0x18d: {  	[sflag:s0] =	ssyncadd.tile.s32 @!p0 $0x1;
	_ =	shalt  }
.Lfunc_end2:
_tile_overlayer_lowered:
.L_overlay_start_2:
0x18e: {  	(tag) =	ssettag $0x2  }
0x18f: {  	s0 =	rddreg [dreg:$0x0];
	s2 =	stileid.u32  }
0x190: {  	s1 =	rddreg [dreg:$0x1];
	p0 =	sne.s32 s2, $0x0  }
0x191: {  	s3 =	rddreg [dreg:$0x2];
	[bflag:$0x3] =	sbarrier.arrive $0xFFFF;
	s2 =	simm.s32 @!p0 $0x1C05  }
0x192: {  	[timem:s3], [sflag:s2] =	dma.local @!p0 [hbm:s0], s1  }
0x193: {  	s0 =	simm.s32 @!p0 $0x5  }
0x194: {  	_ =	swait.ge @!p0 [sflag:s0], s1  }
0x195: {  	s1 =	ssub.s32 @!p0 $0x0, s1;
	[sflag:s0] =	ssyncset.done @!p0 $0x0  }
0x196: {  	[sflag:s0] =	ssyncadd.s32 @!p0 s1  }
0x197: {  	[bflag:$0x3] =	sbarrier.arrive $0xFFFF  }
0x198: {  	_ =	shalt  }

</sc_bundles>
